<compile_context>
chip_gen: v7x
topology: tpu7x:2x2x1
jax: 0.10.2.dev20260603
libtpu: 0.0.44.dev20260713+nightly
codegen_flags: <defaults>
</compile_context>

<pallas_src>
import functools

import jax
import jax.numpy as jnp
from jax import lax
from jax.experimental import pallas as pl
from jax.experimental.pallas import tpu as pltpu
from jax.experimental.pallas import tpu_sc as plsc

N = 50000
E = 800000
D = 64
HID = 64
HEADS = 4
DH = 16
SCALE = DH ** -0.5

NCORE = 2
NSUB = 16

GB = 128
SB = 40
PW = 40
NPT = N // NSUB



def _dense_in_body(x_ref, w_ref, b_ref, o_ref):
    o_ref[...] = jnp.maximum(x_ref[...] @ w_ref[...] + b_ref[...], 0.0)


def _dense_in(x, w, b):
    BN = 2000
    return pl.pallas_call(
        _dense_in_body,
        grid=(N // BN,),
        in_specs=[
            pl.BlockSpec((BN, D), lambda i: (i, 0)),
            pl.BlockSpec((D, HID), lambda i: (0, 0)),
            pl.BlockSpec((1, HID), lambda i: (0, 0)),
        ],
        out_specs=pl.BlockSpec((BN, HID), lambda i: (i, 0)),
        out_shape=jax.ShapeDtypeStruct((N, HID), jnp.float32),
    )(x, w, b.reshape(1, HID))


def _qkv_body(h_ref, wq_ref, wkv_ref, q_ref, kv_ref):
    h = h_ref[...]
    q_ref[...] = h @ wq_ref[...]
    kv_ref[...] = h @ wkv_ref[...]


def _qkv(h, wq, wkv):
    BN = 2000
    return pl.pallas_call(
        _qkv_body,
        grid=(N // BN,),
        in_specs=[
            pl.BlockSpec((BN, HID), lambda i: (i, 0)),
            pl.BlockSpec((HID, 64), lambda i: (0, 0)),
            pl.BlockSpec((HID, 128), lambda i: (0, 0)),
        ],
        out_specs=[
            pl.BlockSpec((BN, 64), lambda i: (i, 0)),
            pl.BlockSpec((BN, 128), lambda i: (i, 0)),
        ],
        out_shape=[
            jax.ShapeDtypeStruct((N, 64), jnp.float32),
            jax.ShapeDtypeStruct((N, 128), jnp.float32),
        ],
    )(h, wq, wkv)


def _edge_body(qd_ref, kvs_ref, ea_ref, we_ref, o_ref):
    qd = qd_ref[...]
    kv = kvs_ref[...]
    ks = kv[:, :64]
    vs = kv[:, 64:]
    m = qd * ks
    be = m.shape[0]
    s = jnp.concatenate(
        [jnp.sum(m[:, h * DH:(h + 1) * DH], axis=1, keepdims=True)
         for h in range(HEADS)], axis=1)
    ea = ea_ref[...].astype(jnp.bfloat16).astype(jnp.float32)
    we = we_ref[...].astype(jnp.bfloat16).astype(jnp.float32)
    eb = (ea[:, 0:1] * we[0:1, :] + ea[:, 1:2] * we[1:2, :]
          + ea[:, 2:3] * we[2:3, :])
    s = s * SCALE + eb
    s = jnp.where(s >= 0.0, s, 0.2 * s)
    p = jnp.exp(s)
    pb = jnp.concatenate(
        [jnp.broadcast_to(p[:, h:h + 1], (be, DH)) for h in range(HEADS)],
        axis=1)
    w = vs * pb
    z = jnp.zeros((be, 4), jnp.float32)
    o_ref[0] = jnp.concatenate([w[:, :32], p, z], axis=1)
    o_ref[1] = jnp.concatenate([w[:, 32:], p, z], axis=1)


def _edge_math(qd, kvs, edge_attr, we):
    BE = 2000
    return pl.pallas_call(
        _edge_body,
        grid=(E // BE,),
        in_specs=[
            pl.BlockSpec((BE, 64), lambda i: (i, 0)),
            pl.BlockSpec((BE, 128), lambda i: (i, 0)),
            pl.BlockSpec((BE, 3), lambda i: (i, 0)),
            pl.BlockSpec((3, HEADS), lambda i: (0, 0)),
        ],
        out_specs=pl.BlockSpec((2, BE, PW), lambda i: (0, i, 0)),
        out_shape=jax.ShapeDtypeStruct((2, E, PW), jnp.float32),
    )(qd, kvs, edge_attr, we)


def _post_body(h_ref, wp_ref, wo_ref, bo_ref, wmh_ref, wma_ref, bm_ref,
               g_ref, b_ref, o_ref):
    wp0 = wp_ref[0]
    wp1 = wp_ref[1]
    ps = jnp.concatenate([wp0[:, 32:34], wp1[:, 34:36]], axis=1)
    den = jnp.maximum(ps, 1e-12)
    bn = den.shape[0]
    den_b = jnp.concatenate(
        [jnp.broadcast_to(den[:, h:h + 1], (bn, DH)) for h in range(HEADS)],
        axis=1)
    agg = jnp.concatenate([wp0[:, :32], wp1[:, :32]], axis=1)
    agg = agg / den_b
    agg2 = agg @ wo_ref[...] + bo_ref[...]
    h = h_ref[...]
    hc = jnp.maximum(h @ wmh_ref[...] + agg2 @ wma_ref[...] + bm_ref[...], 0.0)
    hr = h + hc
    mu = jnp.mean(hr, axis=1, keepdims=True)
    var = jnp.mean((hr - mu) ** 2, axis=1, keepdims=True)
    o_ref[...] = g_ref[...] * (hr - mu) * lax.rsqrt(var + 1e-5) + b_ref[...]


def _post(h, wp, p):
    BN = 2000
    row = lambda a: a.reshape(1, HID)
    return pl.pallas_call(
        _post_body,
        grid=(N // BN,),
        in_specs=[
            pl.BlockSpec((BN, HID), lambda i: (i, 0)),
            pl.BlockSpec((2, BN, PW), lambda i: (0, i, 0)),
            pl.BlockSpec((64, HID), lambda i: (0, 0)),
            pl.BlockSpec((1, HID), lambda i: (0, 0)),
            pl.BlockSpec((HID, HID), lambda i: (0, 0)),
            pl.BlockSpec((HID, HID), lambda i: (0, 0)),
            pl.BlockSpec((1, HID), lambda i: (0, 0)),
            pl.BlockSpec((1, HID), lambda i: (0, 0)),
            pl.BlockSpec((1, HID), lambda i: (0, 0)),
        ],
        out_specs=pl.BlockSpec((BN, HID), lambda i: (i, 0)),
        out_shape=jax.ShapeDtypeStruct((N, HID), jnp.float32),
    )(h, wp, p['Wo'], row(p['bo']), p['Wm'][:HID], p['Wm'][HID:],
      row(p['bm']), row(p['g']), row(p['b']))


def _head_body(h_ref, w1_ref, b1_ref, w2_ref, b2_ref, o_ref):
    h1 = jnp.maximum(h_ref[...] @ w1_ref[...] + b1_ref[...], 0.0)
    o_ref[...] = h1 @ w2_ref[...] + b2_ref[...]


def _head(h, w1, b1, w2, b2):
    BN = 2000
    return pl.pallas_call(
        _head_body,
        grid=(N // BN,),
        in_specs=[
            pl.BlockSpec((BN, HID), lambda i: (i, 0)),
            pl.BlockSpec((HID, HID // 2), lambda i: (0, 0)),
            pl.BlockSpec((1, HID // 2), lambda i: (0, 0)),
            pl.BlockSpec((HID // 2, 1), lambda i: (0, 0)),
            pl.BlockSpec((1, 1), lambda i: (0, 0)),
        ],
        out_specs=pl.BlockSpec((BN, 1), lambda i: (i, 0)),
        out_shape=jax.ShapeDtypeStruct((N, 1), jnp.float32),
    )(h, w1, b1.reshape(1, HID // 2), w2, b2.reshape(1, 1))



_MESH = plsc.VectorSubcoreMesh(core_axis_name="c", subcore_axis_name="s")
_SC_PARAMS = pltpu.CompilerParams(use_tc_tiling_on_sc=False)


@jax.jit
def _sc_gather(q, kv, dst1, src1):
    @functools.partial(
        pl.kernel,
        mesh=_MESH,
        compiler_params=_SC_PARAMS,
        out_type=[
            jax.ShapeDtypeStruct((E, 64), jnp.float32),
            jax.ShapeDtypeStruct((E, 128), jnp.float32),
        ],
    )
    def k(q_hbm, kv_hbm, dst_hbm, src_hbm, qd_out, kvs_out):
        def body(dst_v, src_v, qd_v, kvs_v):
            pltpu.sync_copy(q_hbm.at[dst_v.at[0]], qd_v)
            pltpu.sync_copy(kv_hbm.at[src_v.at[0]], kvs_v)

        pltpu.emit_pipeline(
            body,
            grid=(E // GB,),
            in_specs=[
                pl.BlockSpec((1, GB), lambda i: (0, i)),
                pl.BlockSpec((1, GB), lambda i: (0, i)),
            ],
            out_specs=[
                pl.BlockSpec((GB, 64), lambda i: (i, 0)),
                pl.BlockSpec((GB, 128), lambda i: (i, 0)),
            ],
            core_axis_name=("c", "s"),
            dimension_semantics=(pltpu.PARALLEL,),
        )(dst_hbm, src_hbm, qd_out, kvs_out)

    return k(q, kv, dst1, src1)


@jax.jit
def _sc_scatter(wp, dst2, zeros):
    @functools.partial(
        pl.kernel,
        mesh=_MESH,
        compiler_params=_SC_PARAMS,
        out_type=jax.ShapeDtypeStruct((2, N, PW), jnp.float32),
        scratch_types=[
            pltpu.VMEM_SHARED((N, PW), jnp.float32),
        ],
    )
    def k(wp_hbm, dst_hbm, z_hbm, out_hbm, acc):
        c = lax.axis_index("c")
        s = lax.axis_index("s")
        pltpu.sync_copy(z_hbm.at[pl.ds(s * NPT, NPT)],
                        acc.at[pl.ds(s * NPT, NPT)])
        plsc.subcore_barrier()

        def body(ib_v, wb_v):
            pltpu.sync_copy(wb_v, acc.at[ib_v.at[0]], add=True)

        pltpu.emit_pipeline(
            body,
            grid=(E // SB,),
            in_specs=[
                pl.BlockSpec((1, SB), lambda i: (0, i)),
                pl.BlockSpec((SB, PW), lambda i: (i, 0)),
            ],
            core_axis_name="s",
            dimension_semantics=(pltpu.PARALLEL,),
        )(dst_hbm, wp_hbm.at[c])

        plsc.subcore_barrier()
        pltpu.sync_copy(acc.at[pl.ds(s * NPT, NPT)],
                        out_hbm.at[c].at[pl.ds(s * NPT, NPT)])

    return k(wp, dst2, zeros)



def kernel(x, edge_index, edge_attr, params):
    src1 = edge_index[0].reshape(1, E)
    dst1 = edge_index[1].reshape(1, E)
    zeros = jnp.zeros((N, PW), jnp.float32)

    h = _dense_in(x, params['W_in'], params['b_in'])
    for i in range(3):
        p = params['layers'][i]
        wkv = jnp.concatenate([p['Wk'], p['Wv']], axis=1)
        q, kv = _qkv(h, p['Wq'], wkv)
        qd, kvs = _sc_gather(q, kv, dst1, src1)
        wp = _edge_math(qd, kvs, edge_attr, p['We'])
        acc = _sc_scatter(wp, dst1, zeros)
        h = _post(h, acc, p)
    return _head(h, params['Wh1'], params['bh1'], params['Wh2'], params['bh2'])

# --- scband reference (transcript-rebuilt; emitter-appended) ---
"""Pipeline reference for scband-attention-prolongation-gnn-64295660421656 (READ-ONLY COPY).

The authoritative reference and input builder live on the scoring server;
editing this copy changes nothing except your own understanding.
"""

import jax, jax.numpy as jnp
import numpy as np

N = 50000
E = 800000
D = 64
HID = 64
HEADS = 4
DH = 16
EDGE_DIM = 3
LAYERS = 3


def _init_params(key):
    keys = iter(jax.random.split(key, 40))

    def w(shape, scale):
        return jax.random.normal(next(keys), shape, dtype=jnp.float32) * scale

    params = {}
    params['W_in'] = w((D, HID), (2.0 / D) ** 0.5)
    params['b_in'] = jnp.zeros((HID,), jnp.float32)
    layers = []
    for _ in range(LAYERS):
        p = {
            'Wq': w((HID, HEADS * DH), HID ** -0.5),
            'Wk': w((HID, HEADS * DH), HID ** -0.5),
            'Wv': w((HID, HEADS * DH), HID ** -0.5),
            'We': w((EDGE_DIM, HEADS), EDGE_DIM ** -0.5),
            'Wo': w((HEADS * DH, HID), (HEADS * DH) ** -0.5),
            'bo': jnp.zeros((HID,), jnp.float32),
            'Wm': w((HID + HID, HID), (2.0 / (2 * HID)) ** 0.5),
            'bm': jnp.zeros((HID,), jnp.float32),
            'g': jnp.ones((HID,), jnp.float32),
            'b': jnp.zeros((HID,), jnp.float32),
        }
        layers.append(p)
    params['layers'] = layers
    params['Wh1'] = w((HID, HID // 2), HID ** -0.5)
    params['bh1'] = jnp.zeros((HID // 2,), jnp.float32)
    params['Wh2'] = w((HID // 2, 1), (HID // 2) ** -0.5)
    params['bh2'] = jnp.zeros((1,), jnp.float32)
    return params


def setup_inputs(seed: int = 0):
    key = jax.random.key(seed)
    kx, ke, ka, kp = jax.random.split(key, 4)
    x = jax.random.normal(kx, (N, D), dtype=jnp.float32)
    edge_index = jax.random.randint(ke, (2, E), 0, N, dtype=jnp.int32)
    edge_attr = jax.random.normal(ka, (E, EDGE_DIM), dtype=jnp.float32)
    params = _init_params(kp)
    return {'x': x, 'edge_index': edge_index, 'edge_attr': edge_attr, 'params': params}


def _ln(x, g, b):
    m = x.mean(axis=-1, keepdims=True)
    v = ((x - m) ** 2).mean(axis=-1, keepdims=True)
    return g * (x - m) / jnp.sqrt(v + 1e-5) + b


def _conv(h, src, dst, edge_attr, p):
    n = h.shape[0]
    scale = DH ** -0.5
    Q = (h @ p['Wq']).reshape(n, HEADS, DH)
    K = (h @ p['Wk']).reshape(n, HEADS, DH)
    V = (h @ p['Wv']).reshape(n, HEADS, DH)
    edge_bias = edge_attr @ p['We']
    attn = (Q[dst] * K[src]).sum(axis=-1) * scale + edge_bias
    attn = jnp.where(attn >= 0, attn, 0.2 * attn)
    attn_exp = jnp.exp(attn - jnp.max(attn))
    attn_sum = jnp.zeros((n, HEADS), jnp.float32).at[dst].add(attn_exp)
    attn_norm = attn_exp / jnp.maximum(attn_sum[dst], 1e-12)
    weighted_V = V[src] * attn_norm[:, :, None]
    agg = jnp.zeros((n, HEADS, DH), jnp.float32).at[dst].add(weighted_V)
    agg = agg.reshape(n, HEADS * DH) @ p['Wo'] + p['bo']
    cat = jnp.concatenate([h, agg], axis=1)
    return jax.nn.relu(cat @ p['Wm'] + p['bm'])


def reference(x, edge_index, edge_attr, params):
    src = edge_index[0]
    dst = edge_index[1]
    h = jax.nn.relu(x @ params['W_in'] + params['b_in'])
    for i in range(LAYERS):
        p = params['layers'][i]
        h = _ln(h + _conv(h, src, dst, edge_attr, p), p['g'], p['b'])
    h1 = jax.nn.relu(h @ params['Wh1'] + params['bh1'])
    return h1 @ params['Wh2'] + params['bh2']

if __name__ == "__main__":
    import jax
    _d = setup_inputs()
    print(jax.jit(kernel)(*tuple(_d.values())))

</pallas_src>

<mosaic_0001>
#map = affine_map<(d0, d1) -> (0, 0)>
module attributes {stable_mosaic.version = 14 : i64} {
  func.func @k(%arg0: i32, %arg1: i32, %arg2: memref<50000x64xf32, #tpu.memory_space<hbm>>, %arg3: memref<50000x128xf32, #tpu.memory_space<hbm>>, %arg4: memref<1x800000xi32, #tpu.memory_space<hbm>>, %arg5: memref<1x800000xi32, #tpu.memory_space<hbm>>, %arg6: memref<800000x64xf32, #tpu.memory_space<hbm>>, %arg7: memref<800000x128xf32, #tpu.memory_space<hbm>>) attributes {dimension_semantics = [#tpu.dimension_semantics<core_parallel>, #tpu.dimension_semantics<subcore_parallel>], iteration_bounds = array<i64: 2, 16>, scalar_prefetch = 0 : i64, scratch_operands = 0 : i64, tpu.core_type = #tpu.core_type<sc_vector_subcore>, window_params = [{transform_indices = #map}, {transform_indices = #map}, {transform_indices = #map}, {transform_indices = #map}, {transform_indices = #map}, {transform_indices = #map}]} {
    %mul3A = arith.constant 1 : i32
    %mul3A_0 = arith.muli %arg1, %mul3A : i32
    %add3A = arith.constant 0 : i32
    %add3A_1 = arith.addi %add3A, %mul3A_0 : i32
    %mul3A_2 = arith.constant 16 : i32
    %mul3A_3 = arith.muli %arg0, %mul3A_2 : i32
    %add3A_4 = arith.addi %add3A_1, %mul3A_3 : i32
    %lt3A = arith.constant 10 : i32
    %lt3A_5 = arith.cmpi slt, %add3A_4, %lt3A : i32
    %jit3A = arith.constant 196 : i32
    %jit3A_6 = arith.constant 195 : i32
    %select_n3A = arith.select %lt3A_5, %jit3A, %jit3A_6 : i32
    %lt3A_7 = arith.constant 10 : i32
    %lt3A_8 = arith.cmpi slt, %add3A_4, %lt3A_7 : i32
    %mul3A_9 = arith.muli %add3A_4, %select_n3A : i32
    %mul3A_10 = arith.constant 195 : i32
    %mul3A_11 = arith.muli %add3A_4, %mul3A_10 : i32
    %add3A_12 = arith.constant 10 : i32
    %add3A_13 = arith.addi %mul3A_11, %add3A_12 : i32
    %select_n3A_14 = arith.select %lt3A_8, %mul3A_9, %add3A_13 : i32
    %mul3A_15 = arith.constant 1 : i32
    %mul3A_16 = arith.muli %mul3A_15, %select_n3A : i32
    "tpu.region"() ({
      %run_scoped3A = memref.alloca() : memref<2x1x128xi32, #tpu.memory_space<vmem>>
      %run_scoped3A_17 = tpu.sem_alloc : memref<2x!tpu.dma_semaphore, #tpu.memory_space<semaphore_mem>>
      %run_scoped3A_18 = memref.alloca() : memref<2x1x128xi32, #tpu.memory_space<vmem>>
      %run_scoped3A_19 = tpu.sem_alloc : memref<2x!tpu.dma_semaphore, #tpu.memory_space<semaphore_mem>>
      %run_scoped3A_20 = memref.alloca() : memref<2x128x64xf32, #tpu.memory_space<vmem>>
      %run_scoped3A_21 = tpu.sem_alloc : memref<2x!tpu.dma_semaphore, #tpu.memory_space<semaphore_mem>>
      %run_scoped3A_22 = memref.alloca() : memref<2x128x128xf32, #tpu.memory_space<vmem>>
      %run_scoped3A_23 = tpu.sem_alloc : memref<2x!tpu.dma_semaphore, #tpu.memory_space<semaphore_mem>>
      %gt3A = arith.constant 0 : i32
      %gt3A_24 = arith.cmpi sgt, %mul3A_16, %gt3A : i32
      %convert_element_type3A = arith.extui %gt3A_24 : i1 to i32
      %cond3A = arith.constant 0 : i32
      %cond3A_25 = arith.cmpi ne, %convert_element_type3A, %cond3A : i32
      scf.if %cond3A_25 {
        %mul3A_26 = arith.constant 1 : i32
        %mul3A_27 = arith.muli %mul3A_26, %select_n3A : i32
        %sub3A = arith.constant 1 : i32
        %sub3A_28 = arith.subi %mul3A_27, %sub3A : i32
        %eq3A = arith.constant 0 : i32
        %eq3A_29 = arith.cmpi eq, %sub3A_28, %eq3A : i32
        %add3A_30 = arith.constant 0 : i32
        %add3A_31 = arith.addi %add3A_30, %select_n3A_14 : i32
        %select_n3A_32 = arith.constant true
        %select_n3A_33 = arith.constant 0 : i32
        %select_n3A_34 = arith.constant -1 : i32
        %select_n3A_35 = arith.select %select_n3A_32, %select_n3A_34, %select_n3A_33 : i32
        %eq3A_36 = arith.constant -1 : i32
        %eq3A_37 = arith.cmpi eq, %select_n3A_35, %eq3A_36 : i32
        %sub3A_38 = arith.constant 1 : i32
        %sub3A_39 = arith.subi %select_n3A, %sub3A_38 : i32
        %select_n3A_40 = arith.select %eq3A_37, %sub3A_39, %select_n3A_35 : i32
        %add3A_41 = arith.addi %select_n3A_40, %select_n3A_14 : i32
        %select_n3A_42 = arith.constant true
        %select_n3A_43 = arith.constant 0 : i32
        %select_n3A_44 = arith.constant 1 : i32
        %select_n3A_45 = arith.select %select_n3A_42, %select_n3A_44, %select_n3A_43 : i32
        %eq3A_46 = arith.cmpi eq, %select_n3A_45, %select_n3A : i32
        %select_n3A_47 = arith.constant 0 : i32
        %select_n3A_48 = arith.select %eq3A_46, %select_n3A_47, %select_n3A_45 : i32
        %add3A_49 = arith.addi %select_n3A_48, %select_n3A_14 : i32
        %add3A_50 = arith.constant 1 : i32
        %add3A_51 = arith.addi %select_n3A_48, %add3A_50 : i32
        %select_n3A_52 = arith.constant true
        %select_n3A_53 = arith.select %select_n3A_52, %add3A_51, %select_n3A_48 : i32
        %eq3A_54 = arith.cmpi eq, %select_n3A_53, %select_n3A : i32
        %select_n3A_55 = arith.constant 0 : i32
        %select_n3A_56 = arith.select %eq3A_54, %select_n3A_55, %select_n3A_53 : i32
        %add3A_57 = arith.addi %select_n3A_56, %select_n3A_14 : i32
        "tpu.trace_start"() <{level = 10 : i32, message = "ep_initialize_0"}> : () -> ()
        %rem3A = arith.constant 0 : i32
        %rem3A_58 = arith.constant 2 : i32
        %rem3A_59 = arith.remui %rem3A, %rem3A_58 : i32
        %mul3A_60 = arith.constant 128 : i32
        %mul3A_61 = arith.muli %mul3A_60, %add3A_31 : i32
        %dma_start3A = arith.constant 0 : i32
        %dma_start3A_62 = arith.constant 0 : i32
        %dma_start3A_63 = tpu.memref_slice %run_scoped3A[%rem3A_59, %dma_start3A, %dma_start3A_62] : memref<2x1x128xi32, #tpu.memory_space<vmem>> -> memref<1x1x128xi32, #tpu.memory_space<vmem>>
        %dma_start3A_64 = tpu.memref_squeeze %dma_start3A_63 : memref<1x1x128xi32, #tpu.memory_space<vmem>> -> memref<1x128xi32, #tpu.memory_space<vmem>>
        %dma_start3A_65 = arith.constant 0 : i32
        %dma_start3A_66 = tpu.memref_slice %arg4[%dma_start3A_65, %mul3A_61] : memref<1x800000xi32, #tpu.memory_space<hbm>> -> memref<1x128xi32, #tpu.memory_space<hbm>>
        %dma_start3A_67 = tpu.memref_slice %run_scoped3A_17[%rem3A_59] : memref<2x!tpu.dma_semaphore, #tpu.memory_space<semaphore_mem>> -> memref<1x!tpu.dma_semaphore, #tpu.memory_space<semaphore_mem>>
        %dma_start3A_68 = tpu.memref_squeeze %dma_start3A_67 : memref<1x!tpu.dma_semaphore, #tpu.memory_space<semaphore_mem>> -> memref<!tpu.dma_semaphore, #tpu.memory_space<semaphore_mem>>
        %dma_start3A_69 = arith.constant 0 : i32
        %dma_start3A_70 = arith.constant 0 : i32
        %dma_start3A_71 = tpu.memref_slice %run_scoped3A[%rem3A_59, %dma_start3A_69, %dma_start3A_70] : memref<2x1x128xi32, #tpu.memory_space<vmem>> -> memref<1x1x128xi32, #tpu.memory_space<vmem>>
        %dma_start3A_72 = tpu.memref_squeeze %dma_start3A_71 : memref<1x1x128xi32, #tpu.memory_space<vmem>> -> memref<1x128xi32, #tpu.memory_space<vmem>>
        %dma_start3A_73 = arith.constant 0 : i32
        %dma_start3A_74 = tpu.memref_slice %arg4[%dma_start3A_73, %mul3A_61] : memref<1x800000xi32, #tpu.memory_space<hbm>> -> memref<1x128xi32, #tpu.memory_space<hbm>>
        tpu.enqueue_dma source(%dma_start3A_74 : memref<1x128xi32, #tpu.memory_space<hbm>>) target(%dma_start3A_72 : memref<1x128xi32, #tpu.memory_space<vmem>>) target_semaphore(%dma_start3A_68 : memref<!tpu.dma_semaphore, #tpu.memory_space<semaphore_mem>>)
        %add3A_75 = arith.constant 0 : i32
        %add3A_76 = arith.constant 1 : i32
        %add3A_77 = arith.addi %add3A_75, %add3A_76 : i32
        %select_n3A_78 = arith.constant true
        %select_n3A_79 = arith.constant 0 : i32
        %select_n3A_80 = arith.select %select_n3A_78, %add3A_77, %select_n3A_79 : i32
        %rem3A_81 = arith.constant 0 : i32
        %rem3A_82 = arith.constant 2 : i32
        %rem3A_83 = arith.remui %rem3A_81, %rem3A_82 : i32
        %mul3A_84 = arith.constant 128 : i32
        %mul3A_85 = arith.muli %mul3A_84, %add3A_31 : i32
        %dma_start3A_86 = arith.constant 0 : i32
        %dma_start3A_87 = arith.constant 0 : i32
        %dma_start3A_88 = tpu.memref_slice %run_scoped3A_18[%rem3A_83, %dma_start3A_86, %dma_start3A_87] : memref<2x1x128xi32, #tpu.memory_space<vmem>> -> memref<1x1x128xi32, #tpu.memory_space<vmem>>
        %dma_start3A_89 = tpu.memref_squeeze %dma_start3A_88 : memref<1x1x128xi32, #tpu.memory_space<vmem>> -> memref<1x128xi32, #tpu.memory_space<vmem>>
        %dma_start3A_90 = arith.constant 0 : i32
        %dma_start3A_91 = tpu.memref_slice %arg5[%dma_start3A_90, %mul3A_85] : memref<1x800000xi32, #tpu.memory_space<hbm>> -> memref<1x128xi32, #tpu.memory_space<hbm>>
        %dma_start3A_92 = tpu.memref_slice %run_scoped3A_19[%rem3A_83] : memref<2x!tpu.dma_semaphore, #tpu.memory_space<semaphore_mem>> -> memref<1x!tpu.dma_semaphore, #tpu.memory_space<semaphore_mem>>
        %dma_start3A_93 = tpu.memref_squeeze %dma_start3A_92 : memref<1x!tpu.dma_semaphore, #tpu.memory_space<semaphore_mem>> -> memref<!tpu.dma_semaphore, #tpu.memory_space<semaphore_mem>>
        %dma_start3A_94 = arith.constant 0 : i32
        %dma_start3A_95 = arith.constant 0 : i32
        %dma_start3A_96 = tpu.memref_slice %run_scoped3A_18[%rem3A_83, %dma_start3A_94, %dma_start3A_95] : memref<2x1x128xi32, #tpu.memory_space<vmem>> -> memref<1x1x128xi32, #tpu.memory_space<vmem>>
        %dma_start3A_97 = tpu.memref_squeeze %dma_start3A_96 : memref<1x1x128xi32, #tpu.memory_space<vmem>> -> memref<1x128xi32, #tpu.memory_space<vmem>>
        %dma_start3A_98 = arith.constant 0 : i32
        %dma_start3A_99 = tpu.memref_slice %arg5[%dma_start3A_98, %mul3A_85] : memref<1x800000xi32, #tpu.memory_space<hbm>> -> memref<1x128xi32, #tpu.memory_space<hbm>>
        tpu.enqueue_dma source(%dma_start3A_99 : memref<1x128xi32, #tpu.memory_space<hbm>>) target(%dma_start3A_97 : memref<1x128xi32, #tpu.memory_space<vmem>>) target_semaphore(%dma_start3A_93 : memref<!tpu.dma_semaphore, #tpu.memory_space<semaphore_mem>>)
        %add3A_100 = arith.constant 0 : i32
        %add3A_101 = arith.constant 1 : i32
        %add3A_102 = arith.addi %add3A_100, %add3A_101 : i32
        %select_n3A_103 = arith.constant true
        %select_n3A_104 = arith.constant 0 : i32
        %select_n3A_105 = arith.select %select_n3A_103, %add3A_102, %select_n3A_104 : i32
        %while3A = arith.constant 0 : i32
        %while3A_106 = arith.constant 0 : i32
        %while3A_107 = arith.constant 0 : i32
        %while3A_108 = arith.constant 0 : i32
        %while3A_109 = arith.constant 0 : i32
        %while3A_110 = arith.constant 0 : i32
        %while3A_111 = arith.constant 0 : i32
        %while3A_112 = arith.constant 0 : i32
        "tpu.trace_stop"() : () -> ()
        %while3A_113 = arith.subi %mul3A_16, %while3A : i32
        %while3A_114 = arith.addi %while3A, %while3A_113 : i32
        %while3A_115 = arith.constant 1 : i32
        %while3A_116 = arith.divsi %while3A_113, %while3A_115 : i32
        %while3A_117 = arith.muli %while3A_116, %while3A_115 : i32
        %while3A_118 = arith.addi %while3A, %while3A_117 : i32
        %while3A_119 = arith.constant 1 : i32
        %while3A_120:9 = scf.for %while3A_180 = %while3A to %while3A_118 step %while3A_119 iter_args(%while3A_181 = %select_n3A_80, %while3A_182 = %while3A_106, %while3A_183 = %select_n3A_105, %while3A_184 = %while3A_107, %while3A_185 = %while3A_108, %while3A_186 = %while3A_109, %while3A_187 = %while3A_110, %while3A_188 = %while3A_111, %while3A_189 = %while3A_112) -> (i32, i32, i32, i32, i32, i32, i32, i32, i32)  : i32 {
          %mul3A_190 = arith.constant 1 : i32
          %mul3A_191 = arith.muli %mul3A_190, %select_n3A : i32
          %eq3A_192 = arith.constant 0 : i32
          %eq3A_193 = arith.cmpi eq, %while3A_180, %eq3A_192 : i32
          %sub3A_194 = arith.constant 1 : i32
          %sub3A_195 = arith.subi %mul3A_191, %sub3A_194 : i32
          %eq3A_196 = arith.cmpi eq, %while3A_180, %sub3A_195 : i32
          %add3A_197 = arith.addi %while3A_189, %select_n3A_14 : i32
          %sub3A_198 = arith.constant 1 : i32
          %sub3A_199 = arith.subi %while3A_189, %sub3A_198 : i32
          %select_n3A_200 = arith.constant true
          %select_n3A_201 = arith.select %select_n3A_200, %sub3A_199, %while3A_189 : i32
          %eq3A_202 = arith.constant -1 : i32
          %eq3A_203 = arith.cmpi eq, %select_n3A_201, %eq3A_202 : i32
          %sub3A_204 = arith.constant 1 : i32
          %sub3A_205 = arith.subi %select_n3A, %sub3A_204 : i32
          %select_n3A_206 = arith.select %eq3A_203, %sub3A_205, %select_n3A_201 : i32
          %add3A_207 = arith.addi %select_n3A_206, %select_n3A_14 : i32
          %add3A_208 = arith.constant 1 : i32
          %add3A_209 = arith.addi %while3A_189, %add3A_208 : i32
          %select_n3A_210 = arith.constant true
          %select_n3A_211 = arith.select %select_n3A_210, %add3A_209, %while3A_189 : i32
          %eq3A_212 = arith.cmpi eq, %select_n3A_211, %select_n3A : i32
          %select_n3A_213 = arith.constant 0 : i32
          %select_n3A_214 = arith.select %eq3A_212, %select_n3A_213, %select_n3A_211 : i32
          %add3A_215 = arith.addi %select_n3A_214, %select_n3A_14 : i32
          %add3A_216 = arith.constant 1 : i32
          %add3A_217 = arith.addi %select_n3A_214, %add3A_216 : i32
          %select_n3A_218 = arith.constant true
          %select_n3A_219 = arith.select %select_n3A_218, %add3A_217, %select_n3A_214 : i32
          %eq3A_220 = arith.cmpi eq, %select_n3A_219, %select_n3A : i32
          %select_n3A_221 = arith.constant 0 : i32
          %select_n3A_222 = arith.select %eq3A_220, %select_n3A_221, %select_n3A_219 : i32
          %add3A_223 = arith.addi %select_n3A_222, %select_n3A_14 : i32
          %ne3A = arith.cmpi ne, %add3A_197, %add3A_215 : i32
          %or3A = arith.constant false
          %or3A_224 = arith.ori %or3A, %ne3A : i1
          %sub3A_225 = arith.constant 2 : i32
          %sub3A_226 = arith.subi %mul3A_191, %sub3A_225 : i32
          %add3A_227 = arith.constant 1 : i32
          %add3A_228 = arith.addi %sub3A_226, %add3A_227 : i32
          %ge3A = arith.cmpi sge, %while3A_180, %add3A_228 : i32
          %not3A = arith.constant true
          %not3A_229 = arith.xori %ge3A, %not3A : i1
          %and3A = arith.andi %or3A_224, %not3A_229 : i1
          %convert_element_type3A_230 = arith.extui %and3A : i1 to i32
          %cond3A_231 = arith.constant 0 : i32
          %cond3A_232 = arith.cmpi ne, %convert_element_type3A_230, %cond3A_231 : i32
          scf.if %cond3A_232 {
            "tpu.trace_start"() <{level = 10 : i32, message = "ep_copy_in"}> : () -> ()
            %rem3A_446 = arith.constant 2 : i32
            %rem3A_447 = arith.remui %while3A_181, %rem3A_446 : i32
            %mul3A_448 = arith.constant 128 : i32
            %mul3A_449 = arith.muli %mul3A_448, %add3A_215 : i32
            %dma_start3A_450 = arith.constant 0 : i32
            %dma_start3A_451 = arith.constant 0 : i32
            %dma_start3A_452 = tpu.memref_slice %run_scoped3A[%rem3A_447, %dma_start3A_450, %dma_start3A_451] : memref<2x1x128xi32, #tpu.memory_space<vmem>> -> memref<1x1x128xi32, #tpu.memory_space<vmem>>
            %dma_start3A_453 = tpu.memref_squeeze %dma_start3A_452 : memref<1x1x128xi32, #tpu.memory_space<vmem>> -> memref<1x128xi32, #tpu.memory_space<vmem>>
            %dma_start3A_454 = arith.constant 0 : i32
            %dma_start3A_455 = tpu.memref_slice %arg4[%dma_start3A_454, %mul3A_449] : memref<1x800000xi32, #tpu.memory_space<hbm>> -> memref<1x128xi32, #tpu.memory_space<hbm>>
            %dma_start3A_456 = tpu.memref_slice %run_scoped3A_17[%rem3A_447] : memref<2x!tpu.dma_semaphore, #tpu.memory_space<semaphore_mem>> -> memref<1x!tpu.dma_semaphore, #tpu.memory_space<semaphore_mem>>
            %dma_start3A_457 = tpu.memref_squeeze %dma_start3A_456 : memref<1x!tpu.dma_semaphore, #tpu.memory_space<semaphore_mem>> -> memref<!tpu.dma_semaphore, #tpu.memory_space<semaphore_mem>>
            %dma_start3A_458 = arith.constant 0 : i32
            %dma_start3A_459 = arith.constant 0 : i32
            %dma_start3A_460 = tpu.memref_slice %run_scoped3A[%rem3A_447, %dma_start3A_458, %dma_start3A_459] : memref<2x1x128xi32, #tpu.memory_space<vmem>> -> memref<1x1x128xi32, #tpu.memory_space<vmem>>
            %dma_start3A_461 = tpu.memref_squeeze %dma_start3A_460 : memref<1x1x128xi32, #tpu.memory_space<vmem>> -> memref<1x128xi32, #tpu.memory_space<vmem>>
            %dma_start3A_462 = arith.constant 0 : i32
            %dma_start3A_463 = tpu.memref_slice %arg4[%dma_start3A_462, %mul3A_449] : memref<1x800000xi32, #tpu.memory_space<hbm>> -> memref<1x128xi32, #tpu.memory_space<hbm>>
            tpu.enqueue_dma source(%dma_start3A_463 : memref<1x128xi32, #tpu.memory_space<hbm>>) target(%dma_start3A_461 : memref<1x128xi32, #tpu.memory_space<vmem>>) target_semaphore(%dma_start3A_457 : memref<!tpu.dma_semaphore, #tpu.memory_space<semaphore_mem>>)
            "tpu.trace_stop"() : () -> ()
          } else {
          }
          %and3A_233 = arith.constant true
          %and3A_234 = arith.andi %and3A, %and3A_233 : i1
          %add3A_235 = arith.constant 1 : i32
          %add3A_236 = arith.addi %while3A_181, %add3A_235 : i32
          %select_n3A_237 = arith.select %and3A_234, %add3A_236, %while3A_181 : i32
          %ne3A_238 = arith.cmpi ne, %add3A_197, %add3A_215 : i32
          %or3A_239 = arith.constant false
          %or3A_240 = arith.ori %or3A_239, %ne3A_238 : i1
          %sub3A_241 = arith.constant 2 : i32
          %sub3A_242 = arith.subi %mul3A_191, %sub3A_241 : i32
          %add3A_243 = arith.constant 1 : i32
          %add3A_244 = arith.addi %sub3A_242, %add3A_243 : i32
          %ge3A_245 = arith.cmpi sge, %while3A_180, %add3A_244 : i32
          %not3A_246 = arith.constant true
          %not3A_247 = arith.xori %ge3A_245, %not3A_246 : i1
          %and3A_248 = arith.andi %or3A_240, %not3A_247 : i1
          %convert_element_type3A_249 = arith.extui %and3A_248 : i1 to i32
          %cond3A_250 = arith.constant 0 : i32
          %cond3A_251 = arith.cmpi ne, %convert_element_type3A_249, %cond3A_250 : i32
          scf.if %cond3A_251 {
            "tpu.trace_start"() <{level = 10 : i32, message = "ep_copy_in"}> : () -> ()
            %rem3A_446 = arith.constant 2 : i32
            %rem3A_447 = arith.remui %while3A_183, %rem3A_446 : i32
            %mul3A_448 = arith.constant 128 : i32
            %mul3A_449 = arith.muli %mul3A_448, %add3A_215 : i32
            %dma_start3A_450 = arith.constant 0 : i32
            %dma_start3A_451 = arith.constant 0 : i32
            %dma_start3A_452 = tpu.memref_slice %run_scoped3A_18[%rem3A_447, %dma_start3A_450, %dma_start3A_451] : memref<2x1x128xi32, #tpu.memory_space<vmem>> -> memref<1x1x128xi32, #tpu.memory_space<vmem>>
            %dma_start3A_453 = tpu.memref_squeeze %dma_start3A_452 : memref<1x1x128xi32, #tpu.memory_space<vmem>> -> memref<1x128xi32, #tpu.memory_space<vmem>>
            %dma_start3A_454 = arith.constant 0 : i32
            %dma_start3A_455 = tpu.memref_slice %arg5[%dma_start3A_454, %mul3A_449] : memref<1x800000xi32, #tpu.memory_space<hbm>> -> memref<1x128xi32, #tpu.memory_space<hbm>>
            %dma_start3A_456 = tpu.memref_slice %run_scoped3A_19[%rem3A_447] : memref<2x!tpu.dma_semaphore, #tpu.memory_space<semaphore_mem>> -> memref<1x!tpu.dma_semaphore, #tpu.memory_space<semaphore_mem>>
            %dma_start3A_457 = tpu.memref_squeeze %dma_start3A_456 : memref<1x!tpu.dma_semaphore, #tpu.memory_space<semaphore_mem>> -> memref<!tpu.dma_semaphore, #tpu.memory_space<semaphore_mem>>
            %dma_start3A_458 = arith.constant 0 : i32
            %dma_start3A_459 = arith.constant 0 : i32
            %dma_start3A_460 = tpu.memref_slice %run_scoped3A_18[%rem3A_447, %dma_start3A_458, %dma_start3A_459] : memref<2x1x128xi32, #tpu.memory_space<vmem>> -> memref<1x1x128xi32, #tpu.memory_space<vmem>>
            %dma_start3A_461 = tpu.memref_squeeze %dma_start3A_460 : memref<1x1x128xi32, #tpu.memory_space<vmem>> -> memref<1x128xi32, #tpu.memory_space<vmem>>
            %dma_start3A_462 = arith.constant 0 : i32
            %dma_start3A_463 = tpu.memref_slice %arg5[%dma_start3A_462, %mul3A_449] : memref<1x800000xi32, #tpu.memory_space<hbm>> -> memref<1x128xi32, #tpu.memory_space<hbm>>
            tpu.enqueue_dma source(%dma_start3A_463 : memref<1x128xi32, #tpu.memory_space<hbm>>) target(%dma_start3A_461 : memref<1x128xi32, #tpu.memory_space<vmem>>) target_semaphore(%dma_start3A_457 : memref<!tpu.dma_semaphore, #tpu.memory_space<semaphore_mem>>)
            "tpu.trace_stop"() : () -> ()
          } else {
          }
          %and3A_252 = arith.constant true
          %and3A_253 = arith.andi %and3A_248, %and3A_252 : i1
          %add3A_254 = arith.constant 1 : i32
          %add3A_255 = arith.addi %while3A_183, %add3A_254 : i32
          %select_n3A_256 = arith.select %and3A_253, %add3A_255, %while3A_183 : i32
          %ne3A_257 = arith.cmpi ne, %add3A_197, %add3A_215 : i32
          %or3A_258 = arith.constant false
          %or3A_259 = arith.ori %or3A_258, %ne3A_257 : i1
          %or3A_260 = arith.constant false
          %or3A_261 = arith.ori %or3A_259, %or3A_260 : i1
          %sub3A_262 = arith.constant 2 : i32
          %sub3A_263 = arith.subi %mul3A_191, %sub3A_262 : i32
          %add3A_264 = arith.constant 1 : i32
          %add3A_265 = arith.addi %sub3A_263, %add3A_264 : i32
          %ge3A_266 = arith.cmpi sge, %while3A_180, %add3A_265 : i32
          %not3A_267 = arith.constant true
          %not3A_268 = arith.xori %ge3A_266, %not3A_267 : i1
          %and3A_269 = arith.andi %or3A_261, %not3A_268 : i1
          %ne3A_270 = arith.cmpi ne, %add3A_197, %add3A_215 : i32
          %or3A_271 = arith.constant false
          %or3A_272 = arith.ori %or3A_271, %ne3A_270 : i1
          %or3A_273 = arith.constant false
          %or3A_274 = arith.ori %or3A_272, %or3A_273 : i1
          %sub3A_275 = arith.constant 2 : i32
          %sub3A_276 = arith.subi %mul3A_191, %sub3A_275 : i32
          %add3A_277 = arith.constant 1 : i32
          %add3A_278 = arith.addi %sub3A_276, %add3A_277 : i32
          %ge3A_279 = arith.cmpi sge, %while3A_180, %add3A_278 : i32
          %not3A_280 = arith.constant true
          %not3A_281 = arith.xori %ge3A_279, %not3A_280 : i1
          %and3A_282 = arith.andi %or3A_274, %not3A_281 : i1
          %ne3A_283 = arith.cmpi ne, %add3A_197, %add3A_207 : i32
          %or3A_284 = arith.constant false
          %or3A_285 = arith.ori %or3A_284, %ne3A_283 : i1
          %or3A_286 = arith.ori %or3A_285, %eq3A_193 : i1
          %convert_element_type3A_287 = arith.extui %or3A_286 : i1 to i32
          %cond3A_288 = arith.constant 0 : i32
          %cond3A_289 = arith.cmpi ne, %convert_element_type3A_287, %cond3A_288 : i32
          scf.if %cond3A_289 {
            "tpu.trace_start"() <{level = 10 : i32, message = "ep_wait_in"}> : () -> ()
            %mul3A_446 = arith.constant 128 : i32
            %mul3A_447 = arith.muli %mul3A_446, %add3A_197 : i32
            %rem3A_448 = arith.constant 2 : i32
            %rem3A_449 = arith.remui %while3A_182, %rem3A_448 : i32
            %dma_wait3A = arith.constant 0 : i32
            %dma_wait3A_450 = arith.constant 0 : i32
            %dma_wait3A_451 = tpu.memref_slice %run_scoped3A[%rem3A_449, %dma_wait3A, %dma_wait3A_450] : memref<2x1x128xi32, #tpu.memory_space<vmem>> -> memref<1x1x128xi32, #tpu.memory_space<vmem>>
            %dma_wait3A_452 = tpu.memref_squeeze %dma_wait3A_451 : memref<1x1x128xi32, #tpu.memory_space<vmem>> -> memref<1x128xi32, #tpu.memory_space<vmem>>
            %dma_wait3A_453 = arith.constant 0 : i32
            %dma_wait3A_454 = tpu.memref_slice %arg4[%dma_wait3A_453, %mul3A_447] : memref<1x800000xi32, #tpu.memory_space<hbm>> -> memref<1x128xi32, #tpu.memory_space<hbm>>
            %dma_wait3A_455 = tpu.memref_slice %run_scoped3A_17[%rem3A_449] : memref<2x!tpu.dma_semaphore, #tpu.memory_space<semaphore_mem>> -> memref<1x!tpu.dma_semaphore, #tpu.memory_space<semaphore_mem>>
            %dma_wait3A_456 = tpu.memref_squeeze %dma_wait3A_455 : memref<1x!tpu.dma_semaphore, #tpu.memory_space<semaphore_mem>> -> memref<!tpu.dma_semaphore, #tpu.memory_space<semaphore_mem>>
            %dma_wait3A_457 = arith.constant 0 : i32
            %dma_wait3A_458 = arith.constant 0 : i32
            %dma_wait3A_459 = tpu.memref_slice %run_scoped3A[%rem3A_449, %dma_wait3A_457, %dma_wait3A_458] : memref<2x1x128xi32, #tpu.memory_space<vmem>> -> memref<1x1x128xi32, #tpu.memory_space<vmem>>
            %dma_wait3A_460 = tpu.memref_squeeze %dma_wait3A_459 : memref<1x1x128xi32, #tpu.memory_space<vmem>> -> memref<1x128xi32, #tpu.memory_space<vmem>>
            %dma_wait3A_461 = arith.constant 0 : i32
            %dma_wait3A_462 = tpu.memref_slice %arg4[%dma_wait3A_461, %mul3A_447] : memref<1x800000xi32, #tpu.memory_space<hbm>> -> memref<1x128xi32, #tpu.memory_space<hbm>>
            tpu.wait_dma2 semaphore(%dma_wait3A_456 : memref<!tpu.dma_semaphore, #tpu.memory_space<semaphore_mem>>) src(%dma_wait3A_462 : memref<1x128xi32, #tpu.memory_space<hbm>>) dst(%dma_wait3A_460 : memref<1x128xi32, #tpu.memory_space<vmem>>)
            "tpu.trace_stop"() : () -> ()
          } else {
          }
          %ne3A_290 = arith.cmpi ne, %add3A_197, %add3A_207 : i32
          %or3A_291 = arith.constant false
          %or3A_292 = arith.ori %or3A_291, %ne3A_290 : i1
          %or3A_293 = arith.ori %or3A_292, %eq3A_193 : i1
          %convert_element_type3A_294 = arith.extui %or3A_293 : i1 to i32
          %cond3A_295 = arith.constant 0 : i32
          %cond3A_296 = arith.cmpi ne, %convert_element_type3A_294, %cond3A_295 : i32
          scf.if %cond3A_296 {
            "tpu.trace_start"() <{level = 10 : i32, message = "ep_wait_in"}> : () -> ()
            %mul3A_446 = arith.constant 128 : i32
            %mul3A_447 = arith.muli %mul3A_446, %add3A_197 : i32
            %rem3A_448 = arith.constant 2 : i32
            %rem3A_449 = arith.remui %while3A_184, %rem3A_448 : i32
            %dma_wait3A = arith.constant 0 : i32
            %dma_wait3A_450 = arith.constant 0 : i32
            %dma_wait3A_451 = tpu.memref_slice %run_scoped3A_18[%rem3A_449, %dma_wait3A, %dma_wait3A_450] : memref<2x1x128xi32, #tpu.memory_space<vmem>> -> memref<1x1x128xi32, #tpu.memory_space<vmem>>
            %dma_wait3A_452 = tpu.memref_squeeze %dma_wait3A_451 : memref<1x1x128xi32, #tpu.memory_space<vmem>> -> memref<1x128xi32, #tpu.memory_space<vmem>>
            %dma_wait3A_453 = arith.constant 0 : i32
            %dma_wait3A_454 = tpu.memref_slice %arg5[%dma_wait3A_453, %mul3A_447] : memref<1x800000xi32, #tpu.memory_space<hbm>> -> memref<1x128xi32, #tpu.memory_space<hbm>>
            %dma_wait3A_455 = tpu.memref_slice %run_scoped3A_19[%rem3A_449] : memref<2x!tpu.dma_semaphore, #tpu.memory_space<semaphore_mem>> -> memref<1x!tpu.dma_semaphore, #tpu.memory_space<semaphore_mem>>
            %dma_wait3A_456 = tpu.memref_squeeze %dma_wait3A_455 : memref<1x!tpu.dma_semaphore, #tpu.memory_space<semaphore_mem>> -> memref<!tpu.dma_semaphore, #tpu.memory_space<semaphore_mem>>
            %dma_wait3A_457 = arith.constant 0 : i32
            %dma_wait3A_458 = arith.constant 0 : i32
            %dma_wait3A_459 = tpu.memref_slice %run_scoped3A_18[%rem3A_449, %dma_wait3A_457, %dma_wait3A_458] : memref<2x1x128xi32, #tpu.memory_space<vmem>> -> memref<1x1x128xi32, #tpu.memory_space<vmem>>
            %dma_wait3A_460 = tpu.memref_squeeze %dma_wait3A_459 : memref<1x1x128xi32, #tpu.memory_space<vmem>> -> memref<1x128xi32, #tpu.memory_space<vmem>>
            %dma_wait3A_461 = arith.constant 0 : i32
            %dma_wait3A_462 = tpu.memref_slice %arg5[%dma_wait3A_461, %mul3A_447] : memref<1x800000xi32, #tpu.memory_space<hbm>> -> memref<1x128xi32, #tpu.memory_space<hbm>>
            tpu.wait_dma2 semaphore(%dma_wait3A_456 : memref<!tpu.dma_semaphore, #tpu.memory_space<semaphore_mem>>) src(%dma_wait3A_462 : memref<1x128xi32, #tpu.memory_space<hbm>>) dst(%dma_wait3A_460 : memref<1x128xi32, #tpu.memory_space<vmem>>)
            "tpu.trace_stop"() : () -> ()
          } else {
          }
          %ne3A_297 = arith.cmpi ne, %add3A_197, %add3A_207 : i32
          %or3A_298 = arith.constant false
          %or3A_299 = arith.ori %or3A_298, %ne3A_297 : i1
          %or3A_300 = arith.constant false
          %or3A_301 = arith.ori %or3A_299, %or3A_300 : i1
          %or3A_302 = arith.ori %or3A_301, %eq3A_193 : i1
          %convert_element_type3A_303 = arith.extui %or3A_302 : i1 to i32
          %cond3A_304 = arith.constant 0 : i32
          %cond3A_305 = arith.cmpi ne, %convert_element_type3A_303, %cond3A_304 : i32
          scf.if %cond3A_305 {
          } else {
          }
          %ne3A_306 = arith.cmpi ne, %add3A_197, %add3A_207 : i32
          %or3A_307 = arith.constant false
          %or3A_308 = arith.ori %or3A_307, %ne3A_306 : i1
          %or3A_309 = arith.constant false
          %or3A_310 = arith.ori %or3A_308, %or3A_309 : i1
          %or3A_311 = arith.ori %or3A_310, %eq3A_193 : i1
          %convert_element_type3A_312 = arith.extui %or3A_311 : i1 to i32
          %cond3A_313 = arith.constant 0 : i32
          %cond3A_314 = arith.cmpi ne, %convert_element_type3A_312, %cond3A_313 : i32
          scf.if %cond3A_314 {
          } else {
          }
          %rem3A_315 = arith.constant 2 : i32
          %rem3A_316 = arith.remui %while3A_182, %rem3A_315 : i32
          %rem3A_317 = arith.constant 2 : i32
          %rem3A_318 = arith.remui %while3A_184, %rem3A_317 : i32
          %rem3A_319 = arith.constant 2 : i32
          %rem3A_320 = arith.remui %while3A_185, %rem3A_319 : i32
          %rem3A_321 = arith.constant 2 : i32
          %rem3A_322 = arith.remui %while3A_187, %rem3A_321 : i32
          %run_scoped3A_323 = arith.constant 0 : i32
          "tpu.trace_start"() <{level = 10 : i32, message = "ep_run_kernel"}> : () -> ()
          "tpu.region"() ({
            %run_scoped3A_446 = tpu.sem_alloc : memref<!tpu.dma_semaphore, #tpu.memory_space<semaphore_mem>>
            %dma_start3A_447 = arith.constant 0 : i32
            %dma_start3A_448 = arith.constant 0 : i32
            %dma_start3A_449 = tpu.memref_slice %run_scoped3A_20[%rem3A_320, %dma_start3A_447, %dma_start3A_448] : memref<2x128x64xf32, #tpu.memory_space<vmem>> -> memref<1x128x64xf32, #tpu.memory_space<vmem>>
            %dma_start3A_450 = tpu.memref_squeeze %dma_start3A_449 : memref<1x128x64xf32, #tpu.memory_space<vmem>> -> memref<128x64xf32, #tpu.memory_space<vmem>>
            %dma_start3A_451 = arith.constant 0 : i32
            %dma_start3A_452 = arith.constant 0 : i32
            %dma_start3A_453 = tpu.memref_slice %run_scoped3A[%rem3A_316, %dma_start3A_451, %dma_start3A_452] : memref<2x1x128xi32, #tpu.memory_space<vmem>> -> memref<1x1x128xi32, #tpu.memory_space<vmem>>
            %dma_start3A_454 = tpu.memref_squeeze %dma_start3A_453 : memref<1x1x128xi32, #tpu.memory_space<vmem>> -> memref<1x128xi32, #tpu.memory_space<vmem>>
            %dma_start3A_455 = arith.constant 0 : i32
            %dma_start3A_456 = tpu.memref_slice %dma_start3A_454[%run_scoped3A_323, %dma_start3A_455] : memref<1x128xi32, #tpu.memory_space<vmem>> -> memref<1x128xi32, #tpu.memory_space<vmem>>
            %dma_start3A_457 = tpu.memref_squeeze %dma_start3A_456 : memref<1x128xi32, #tpu.memory_space<vmem>> -> memref<128xi32, #tpu.memory_space<vmem>>
            %dma_start3A_458 = arith.constant 0 : i32
            %dma_start3A_459 = arith.constant 0 : i32
            %dma_start3A_460 = tpu.memref_slice %arg2[%dma_start3A_458, %dma_start3A_459] : memref<50000x64xf32, #tpu.memory_space<hbm>> -> memref<50000x64xf32, #tpu.memory_space<hbm>>
            tpu.enqueue_indirect_dma source(%dma_start3A_460 : memref<50000x64xf32, #tpu.memory_space<hbm>>) target(%dma_start3A_450 : memref<128x64xf32, #tpu.memory_space<vmem>>) offsets(%dma_start3A_457 : memref<128xi32, #tpu.memory_space<vmem>>) semaphore(%run_scoped3A_446 : memref<!tpu.dma_semaphore, #tpu.memory_space<semaphore_mem>>)
            %dma_wait3A = arith.constant 0 : i32
            %dma_wait3A_461 = arith.constant 0 : i32
            %dma_wait3A_462 = tpu.memref_slice %run_scoped3A_20[%rem3A_320, %dma_wait3A, %dma_wait3A_461] : memref<2x128x64xf32, #tpu.memory_space<vmem>> -> memref<1x128x64xf32, #tpu.memory_space<vmem>>
            %dma_wait3A_463 = tpu.memref_squeeze %dma_wait3A_462 : memref<1x128x64xf32, #tpu.memory_space<vmem>> -> memref<128x64xf32, #tpu.memory_space<vmem>>
            %dma_wait3A_464 = arith.constant 0 : i32
            %dma_wait3A_465 = arith.constant 0 : i32
            %dma_wait3A_466 = tpu.memref_slice %run_scoped3A[%rem3A_316, %dma_wait3A_464, %dma_wait3A_465] : memref<2x1x128xi32, #tpu.memory_space<vmem>> -> memref<1x1x128xi32, #tpu.memory_space<vmem>>
            %dma_wait3A_467 = tpu.memref_squeeze %dma_wait3A_466 : memref<1x1x128xi32, #tpu.memory_space<vmem>> -> memref<1x128xi32, #tpu.memory_space<vmem>>
            %dma_wait3A_468 = arith.constant 0 : i32
            %dma_wait3A_469 = tpu.memref_slice %dma_wait3A_467[%run_scoped3A_323, %dma_wait3A_468] : memref<1x128xi32, #tpu.memory_space<vmem>> -> memref<1x128xi32, #tpu.memory_space<vmem>>
            %dma_wait3A_470 = tpu.memref_squeeze %dma_wait3A_469 : memref<1x128xi32, #tpu.memory_space<vmem>> -> memref<128xi32, #tpu.memory_space<vmem>>
            %dma_wait3A_471 = arith.constant 0 : i32
            %dma_wait3A_472 = arith.constant 0 : i32
            %dma_wait3A_473 = tpu.memref_slice %arg2[%dma_wait3A_471, %dma_wait3A_472] : memref<50000x64xf32, #tpu.memory_space<hbm>> -> memref<50000x64xf32, #tpu.memory_space<hbm>>
            tpu.wait_indirect_dma semaphore(%run_scoped3A_446 : memref<!tpu.dma_semaphore, #tpu.memory_space<semaphore_mem>>) src(%dma_wait3A_473 : memref<50000x64xf32, #tpu.memory_space<hbm>>) dst(%dma_wait3A_463 : memref<128x64xf32, #tpu.memory_space<vmem>>)
            tpu.yield
          }) : () -> ()
          %run_scoped3A_324 = arith.constant 0 : i32
          "tpu.region"() ({
            %run_scoped3A_446 = tpu.sem_alloc : memref<!tpu.dma_semaphore, #tpu.memory_space<semaphore_mem>>
            %dma_start3A_447 = arith.constant 0 : i32
            %dma_start3A_448 = arith.constant 0 : i32
            %dma_start3A_449 = tpu.memref_slice %run_scoped3A_22[%rem3A_322, %dma_start3A_447, %dma_start3A_448] : memref<2x128x128xf32, #tpu.memory_space<vmem>> -> memref<1x128x128xf32, #tpu.memory_space<vmem>>
            %dma_start3A_450 = tpu.memref_squeeze %dma_start3A_449 : memref<1x128x128xf32, #tpu.memory_space<vmem>> -> memref<128x128xf32, #tpu.memory_space<vmem>>
            %dma_start3A_451 = arith.constant 0 : i32
            %dma_start3A_452 = arith.constant 0 : i32
            %dma_start3A_453 = tpu.memref_slice %run_scoped3A_18[%rem3A_318, %dma_start3A_451, %dma_start3A_452] : memref<2x1x128xi32, #tpu.memory_space<vmem>> -> memref<1x1x128xi32, #tpu.memory_space<vmem>>
            %dma_start3A_454 = tpu.memref_squeeze %dma_start3A_453 : memref<1x1x128xi32, #tpu.memory_space<vmem>> -> memref<1x128xi32, #tpu.memory_space<vmem>>
            %dma_start3A_455 = arith.constant 0 : i32
            %dma_start3A_456 = tpu.memref_slice %dma_start3A_454[%run_scoped3A_324, %dma_start3A_455] : memref<1x128xi32, #tpu.memory_space<vmem>> -> memref<1x128xi32, #tpu.memory_space<vmem>>
            %dma_start3A_457 = tpu.memref_squeeze %dma_start3A_456 : memref<1x128xi32, #tpu.memory_space<vmem>> -> memref<128xi32, #tpu.memory_space<vmem>>
            %dma_start3A_458 = arith.constant 0 : i32
            %dma_start3A_459 = arith.constant 0 : i32
            %dma_start3A_460 = tpu.memref_slice %arg3[%dma_start3A_458, %dma_start3A_459] : memref<50000x128xf32, #tpu.memory_space<hbm>> -> memref<50000x128xf32, #tpu.memory_space<hbm>>
            tpu.enqueue_indirect_dma source(%dma_start3A_460 : memref<50000x128xf32, #tpu.memory_space<hbm>>) target(%dma_start3A_450 : memref<128x128xf32, #tpu.memory_space<vmem>>) offsets(%dma_start3A_457 : memref<128xi32, #tpu.memory_space<vmem>>) semaphore(%run_scoped3A_446 : memref<!tpu.dma_semaphore, #tpu.memory_space<semaphore_mem>>)
            %dma_wait3A = arith.constant 0 : i32
            %dma_wait3A_461 = arith.constant 0 : i32
            %dma_wait3A_462 = tpu.memref_slice %run_scoped3A_22[%rem3A_322, %dma_wait3A, %dma_wait3A_461] : memref<2x128x128xf32, #tpu.memory_space<vmem>> -> memref<1x128x128xf32, #tpu.memory_space<vmem>>
            %dma_wait3A_463 = tpu.memref_squeeze %dma_wait3A_462 : memref<1x128x128xf32, #tpu.memory_space<vmem>> -> memref<128x128xf32, #tpu.memory_space<vmem>>
            %dma_wait3A_464 = arith.constant 0 : i32
            %dma_wait3A_465 = arith.constant 0 : i32
            %dma_wait3A_466 = tpu.memref_slice %run_scoped3A_18[%rem3A_318, %dma_wait3A_464, %dma_wait3A_465] : memref<2x1x128xi32, #tpu.memory_space<vmem>> -> memref<1x1x128xi32, #tpu.memory_space<vmem>>
            %dma_wait3A_467 = tpu.memref_squeeze %dma_wait3A_466 : memref<1x1x128xi32, #tpu.memory_space<vmem>> -> memref<1x128xi32, #tpu.memory_space<vmem>>
            %dma_wait3A_468 = arith.constant 0 : i32
            %dma_wait3A_469 = tpu.memref_slice %dma_wait3A_467[%run_scoped3A_324, %dma_wait3A_468] : memref<1x128xi32, #tpu.memory_space<vmem>> -> memref<1x128xi32, #tpu.memory_space<vmem>>
            %dma_wait3A_470 = tpu.memref_squeeze %dma_wait3A_469 : memref<1x128xi32, #tpu.memory_space<vmem>> -> memref<128xi32, #tpu.memory_space<vmem>>
            %dma_wait3A_471 = arith.constant 0 : i32
            %dma_wait3A_472 = arith.constant 0 : i32
            %dma_wait3A_473 = tpu.memref_slice %arg3[%dma_wait3A_471, %dma_wait3A_472] : memref<50000x128xf32, #tpu.memory_space<hbm>> -> memref<50000x128xf32, #tpu.memory_space<hbm>>
            tpu.wait_indirect_dma semaphore(%run_scoped3A_446 : memref<!tpu.dma_semaphore, #tpu.memory_space<semaphore_mem>>) src(%dma_wait3A_473 : memref<50000x128xf32, #tpu.memory_space<hbm>>) dst(%dma_wait3A_463 : memref<128x128xf32, #tpu.memory_space<vmem>>)
            tpu.yield
          }) : () -> ()
          "tpu.trace_stop"() : () -> ()
          %ne3A_325 = arith.cmpi ne, %add3A_197, %add3A_215 : i32
          %or3A_326 = arith.constant false
          %or3A_327 = arith.ori %or3A_326, %ne3A_325 : i1
          %or3A_328 = arith.ori %or3A_327, %eq3A_196 : i1
          %convert_element_type3A_329 = arith.extui %or3A_328 : i1 to i32
          %cond3A_330 = arith.constant 0 : i32
          %cond3A_331 = arith.cmpi ne, %convert_element_type3A_329, %cond3A_330 : i32
          scf.if %cond3A_331 {
          } else {
          }
          %and3A_332 = arith.constant false
          %and3A_333 = arith.andi %or3A_328, %and3A_332 : i1
          %ne3A_334 = arith.cmpi ne, %add3A_197, %add3A_215 : i32
          %or3A_335 = arith.constant false
          %or3A_336 = arith.ori %or3A_335, %ne3A_334 : i1
          %or3A_337 = arith.ori %or3A_336, %eq3A_196 : i1
          %convert_element_type3A_338 = arith.extui %or3A_337 : i1 to i32
          %cond3A_339 = arith.constant 0 : i32
          %cond3A_340 = arith.cmpi ne, %convert_element_type3A_338, %cond3A_339 : i32
          scf.if %cond3A_340 {
          } else {
          }
          %and3A_341 = arith.constant false
          %and3A_342 = arith.andi %or3A_337, %and3A_341 : i1
          %ne3A_343 = arith.cmpi ne, %add3A_197, %add3A_215 : i32
          %or3A_344 = arith.constant false
          %or3A_345 = arith.ori %or3A_344, %ne3A_343 : i1
          %or3A_346 = arith.constant false
          %or3A_347 = arith.ori %or3A_345, %or3A_346 : i1
          %or3A_348 = arith.ori %or3A_347, %eq3A_196 : i1
          %convert_element_type3A_349 = arith.extui %or3A_348 : i1 to i32
          %cond3A_350 = arith.constant 0 : i32
          %cond3A_351 = arith.cmpi ne, %convert_element_type3A_349, %cond3A_350 : i32
          scf.if %cond3A_351 {
            "tpu.trace_start"() <{level = 10 : i32, message = "ep_copy_out"}> : () -> ()
            %rem3A_446 = arith.constant 2 : i32
            %rem3A_447 = arith.remui %while3A_185, %rem3A_446 : i32
            %mul3A_448 = arith.constant 128 : i32
            %mul3A_449 = arith.muli %mul3A_448, %add3A_197 : i32
            %dma_start3A_450 = arith.constant 0 : i32
            %dma_start3A_451 = arith.constant 0 : i32
            %dma_start3A_452 = tpu.memref_slice %run_scoped3A_20[%rem3A_447, %dma_start3A_450, %dma_start3A_451] : memref<2x128x64xf32, #tpu.memory_space<vmem>> -> memref<1x128x64xf32, #tpu.memory_space<vmem>>
            %dma_start3A_453 = tpu.memref_squeeze %dma_start3A_452 : memref<1x128x64xf32, #tpu.memory_space<vmem>> -> memref<128x64xf32, #tpu.memory_space<vmem>>
            %dma_start3A_454 = arith.constant 0 : i32
            %dma_start3A_455 = tpu.memref_slice %arg6[%mul3A_449, %dma_start3A_454] : memref<800000x64xf32, #tpu.memory_space<hbm>> -> memref<128x64xf32, #tpu.memory_space<hbm>>
            %dma_start3A_456 = tpu.memref_slice %run_scoped3A_21[%rem3A_447] : memref<2x!tpu.dma_semaphore, #tpu.memory_space<semaphore_mem>> -> memref<1x!tpu.dma_semaphore, #tpu.memory_space<semaphore_mem>>
            %dma_start3A_457 = tpu.memref_squeeze %dma_start3A_456 : memref<1x!tpu.dma_semaphore, #tpu.memory_space<semaphore_mem>> -> memref<!tpu.dma_semaphore, #tpu.memory_space<semaphore_mem>>
            %dma_start3A_458 = arith.constant 0 : i32
            %dma_start3A_459 = tpu.memref_slice %arg6[%mul3A_449, %dma_start3A_458] : memref<800000x64xf32, #tpu.memory_space<hbm>> -> memref<128x64xf32, #tpu.memory_space<hbm>>
            %dma_start3A_460 = arith.constant 0 : i32
            %dma_start3A_461 = arith.constant 0 : i32
            %dma_start3A_462 = tpu.memref_slice %run_scoped3A_20[%rem3A_447, %dma_start3A_460, %dma_start3A_461] : memref<2x128x64xf32, #tpu.memory_space<vmem>> -> memref<1x128x64xf32, #tpu.memory_space<vmem>>
            %dma_start3A_463 = tpu.memref_squeeze %dma_start3A_462 : memref<1x128x64xf32, #tpu.memory_space<vmem>> -> memref<128x64xf32, #tpu.memory_space<vmem>>
            tpu.enqueue_dma source(%dma_start3A_463 : memref<128x64xf32, #tpu.memory_space<vmem>>) target(%dma_start3A_459 : memref<128x64xf32, #tpu.memory_space<hbm>>) target_semaphore(%dma_start3A_457 : memref<!tpu.dma_semaphore, #tpu.memory_space<semaphore_mem>>)
            "tpu.trace_stop"() : () -> ()
          } else {
          }
          %and3A_352 = arith.constant true
          %and3A_353 = arith.andi %or3A_348, %and3A_352 : i1
          %add3A_354 = arith.constant 1 : i32
          %add3A_355 = arith.addi %while3A_185, %add3A_354 : i32
          %select_n3A_356 = arith.select %and3A_353, %add3A_355, %while3A_185 : i32
          %ne3A_357 = arith.cmpi ne, %add3A_197, %add3A_215 : i32
          %or3A_358 = arith.constant false
          %or3A_359 = arith.ori %or3A_358, %ne3A_357 : i1
          %or3A_360 = arith.constant false
          %or3A_361 = arith.ori %or3A_359, %or3A_360 : i1
          %or3A_362 = arith.ori %or3A_361, %eq3A_196 : i1
          %convert_element_type3A_363 = arith.extui %or3A_362 : i1 to i32
          %cond3A_364 = arith.constant 0 : i32
          %cond3A_365 = arith.cmpi ne, %convert_element_type3A_363, %cond3A_364 : i32
          scf.if %cond3A_365 {
            "tpu.trace_start"() <{level = 10 : i32, message = "ep_copy_out"}> : () -> ()
            %rem3A_446 = arith.constant 2 : i32
            %rem3A_447 = arith.remui %while3A_187, %rem3A_446 : i32
            %mul3A_448 = arith.constant 128 : i32
            %mul3A_449 = arith.muli %mul3A_448, %add3A_197 : i32
            %dma_start3A_450 = arith.constant 0 : i32
            %dma_start3A_451 = arith.constant 0 : i32
            %dma_start3A_452 = tpu.memref_slice %run_scoped3A_22[%rem3A_447, %dma_start3A_450, %dma_start3A_451] : memref<2x128x128xf32, #tpu.memory_space<vmem>> -> memref<1x128x128xf32, #tpu.memory_space<vmem>>
            %dma_start3A_453 = tpu.memref_squeeze %dma_start3A_452 : memref<1x128x128xf32, #tpu.memory_space<vmem>> -> memref<128x128xf32, #tpu.memory_space<vmem>>
            %dma_start3A_454 = arith.constant 0 : i32
            %dma_start3A_455 = tpu.memref_slice %arg7[%mul3A_449, %dma_start3A_454] : memref<800000x128xf32, #tpu.memory_space<hbm>> -> memref<128x128xf32, #tpu.memory_space<hbm>>
            %dma_start3A_456 = tpu.memref_slice %run_scoped3A_23[%rem3A_447] : memref<2x!tpu.dma_semaphore, #tpu.memory_space<semaphore_mem>> -> memref<1x!tpu.dma_semaphore, #tpu.memory_space<semaphore_mem>>
            %dma_start3A_457 = tpu.memref_squeeze %dma_start3A_456 : memref<1x!tpu.dma_semaphore, #tpu.memory_space<semaphore_mem>> -> memref<!tpu.dma_semaphore, #tpu.memory_space<semaphore_mem>>
            %dma_start3A_458 = arith.constant 0 : i32
            %dma_start3A_459 = tpu.memref_slice %arg7[%mul3A_449, %dma_start3A_458] : memref<800000x128xf32, #tpu.memory_space<hbm>> -> memref<128x128xf32, #tpu.memory_space<hbm>>
            %dma_start3A_460 = arith.constant 0 : i32
            %dma_start3A_461 = arith.constant 0 : i32
            %dma_start3A_462 = tpu.memref_slice %run_scoped3A_22[%rem3A_447, %dma_start3A_460, %dma_start3A_461] : memref<2x128x128xf32, #tpu.memory_space<vmem>> -> memref<1x128x128xf32, #tpu.memory_space<vmem>>
            %dma_start3A_463 = tpu.memref_squeeze %dma_start3A_462 : memref<1x128x128xf32, #tpu.memory_space<vmem>> -> memref<128x128xf32, #tpu.memory_space<vmem>>
            tpu.enqueue_dma source(%dma_start3A_463 : memref<128x128xf32, #tpu.memory_space<vmem>>) target(%dma_start3A_459 : memref<128x128xf32, #tpu.memory_space<hbm>>) target_semaphore(%dma_start3A_457 : memref<!tpu.dma_semaphore, #tpu.memory_space<semaphore_mem>>)
            "tpu.trace_stop"() : () -> ()
          } else {
          }
          %and3A_366 = arith.constant true
          %and3A_367 = arith.andi %or3A_362, %and3A_366 : i1
          %add3A_368 = arith.constant 1 : i32
          %add3A_369 = arith.addi %while3A_187, %add3A_368 : i32
          %select_n3A_370 = arith.select %and3A_367, %add3A_369, %while3A_187 : i32
          %ne3A_371 = arith.cmpi ne, %add3A_197, %add3A_207 : i32
          %or3A_372 = arith.constant false
          %or3A_373 = arith.ori %or3A_372, %ne3A_371 : i1
          %not3A_374 = arith.constant true
          %not3A_375 = arith.xori %eq3A_193, %not3A_374 : i1
          %and3A_376 = arith.andi %or3A_373, %not3A_375 : i1
          %convert_element_type3A_377 = arith.extui %and3A_376 : i1 to i32
          %cond3A_378 = arith.constant 0 : i32
          %cond3A_379 = arith.cmpi ne, %convert_element_type3A_377, %cond3A_378 : i32
          scf.if %cond3A_379 {
          } else {
          }
          %and3A_380 = arith.constant false
          %and3A_381 = arith.andi %and3A_376, %and3A_380 : i1
          %ne3A_382 = arith.cmpi ne, %add3A_197, %add3A_207 : i32
          %or3A_383 = arith.constant false
          %or3A_384 = arith.ori %or3A_383, %ne3A_382 : i1
          %not3A_385 = arith.constant true
          %not3A_386 = arith.xori %eq3A_193, %not3A_385 : i1
          %and3A_387 = arith.andi %or3A_384, %not3A_386 : i1
          %convert_element_type3A_388 = arith.extui %and3A_387 : i1 to i32
          %cond3A_389 = arith.constant 0 : i32
          %cond3A_390 = arith.cmpi ne, %convert_element_type3A_388, %cond3A_389 : i32
          scf.if %cond3A_390 {
          } else {
          }
          %and3A_391 = arith.constant false
          %and3A_392 = arith.andi %and3A_387, %and3A_391 : i1
          %ne3A_393 = arith.cmpi ne, %add3A_197, %add3A_207 : i32
          %or3A_394 = arith.constant false
          %or3A_395 = arith.ori %or3A_394, %ne3A_393 : i1
          %or3A_396 = arith.constant false
          %or3A_397 = arith.ori %or3A_395, %or3A_396 : i1
          %not3A_398 = arith.constant true
          %not3A_399 = arith.xori %eq3A_193, %not3A_398 : i1
          %and3A_400 = arith.andi %or3A_397, %not3A_399 : i1
          %convert_element_type3A_401 = arith.extui %and3A_400 : i1 to i32
          %cond3A_402 = arith.constant 0 : i32
          %cond3A_403 = arith.cmpi ne, %convert_element_type3A_401, %cond3A_402 : i32
          scf.if %cond3A_403 {
            "tpu.trace_start"() <{level = 10 : i32, message = "ep_wait_out"}> : () -> ()
            %rem3A_446 = arith.constant 2 : i32
            %rem3A_447 = arith.remui %while3A_186, %rem3A_446 : i32
            %mul3A_448 = arith.constant 128 : i32
            %mul3A_449 = arith.muli %mul3A_448, %add3A_207 : i32
            %dma_wait3A = arith.constant 0 : i32
            %dma_wait3A_450 = arith.constant 0 : i32
            %dma_wait3A_451 = tpu.memref_slice %run_scoped3A_20[%rem3A_447, %dma_wait3A, %dma_wait3A_450] : memref<2x128x64xf32, #tpu.memory_space<vmem>> -> memref<1x128x64xf32, #tpu.memory_space<vmem>>
            %dma_wait3A_452 = tpu.memref_squeeze %dma_wait3A_451 : memref<1x128x64xf32, #tpu.memory_space<vmem>> -> memref<128x64xf32, #tpu.memory_space<vmem>>
            %dma_wait3A_453 = arith.constant 0 : i32
            %dma_wait3A_454 = tpu.memref_slice %arg6[%mul3A_449, %dma_wait3A_453] : memref<800000x64xf32, #tpu.memory_space<hbm>> -> memref<128x64xf32, #tpu.memory_space<hbm>>
            %dma_wait3A_455 = tpu.memref_slice %run_scoped3A_21[%rem3A_447] : memref<2x!tpu.dma_semaphore, #tpu.memory_space<semaphore_mem>> -> memref<1x!tpu.dma_semaphore, #tpu.memory_space<semaphore_mem>>
            %dma_wait3A_456 = tpu.memref_squeeze %dma_wait3A_455 : memref<1x!tpu.dma_semaphore, #tpu.memory_space<semaphore_mem>> -> memref<!tpu.dma_semaphore, #tpu.memory_space<semaphore_mem>>
            %dma_wait3A_457 = arith.constant 0 : i32
            %dma_wait3A_458 = tpu.memref_slice %arg6[%mul3A_449, %dma_wait3A_457] : memref<800000x64xf32, #tpu.memory_space<hbm>> -> memref<128x64xf32, #tpu.memory_space<hbm>>
            %dma_wait3A_459 = arith.constant 0 : i32
            %dma_wait3A_460 = arith.constant 0 : i32
            %dma_wait3A_461 = tpu.memref_slice %run_scoped3A_20[%rem3A_447, %dma_wait3A_459, %dma_wait3A_460] : memref<2x128x64xf32, #tpu.memory_space<vmem>> -> memref<1x128x64xf32, #tpu.memory_space<vmem>>
            %dma_wait3A_462 = tpu.memref_squeeze %dma_wait3A_461 : memref<1x128x64xf32, #tpu.memory_space<vmem>> -> memref<128x64xf32, #tpu.memory_space<vmem>>
            tpu.wait_dma2 semaphore(%dma_wait3A_456 : memref<!tpu.dma_semaphore, #tpu.memory_space<semaphore_mem>>) src(%dma_wait3A_462 : memref<128x64xf32, #tpu.memory_space<vmem>>) dst(%dma_wait3A_458 : memref<128x64xf32, #tpu.memory_space<hbm>>)
            "tpu.trace_stop"() : () -> ()
          } else {
          }
          %and3A_404 = arith.constant true
          %and3A_405 = arith.andi %and3A_400, %and3A_404 : i1
          %add3A_406 = arith.constant 1 : i32
          %add3A_407 = arith.addi %while3A_186, %add3A_406 : i32
          %select_n3A_408 = arith.select %and3A_405, %add3A_407, %while3A_186 : i32
          %ne3A_409 = arith.cmpi ne, %add3A_197, %add3A_207 : i32
          %or3A_410 = arith.constant false
          %or3A_411 = arith.ori %or3A_410, %ne3A_409 : i1
          %or3A_412 = arith.constant false
          %or3A_413 = arith.ori %or3A_411, %or3A_412 : i1
          %not3A_414 = arith.constant true
          %not3A_415 = arith.xori %eq3A_193, %not3A_414 : i1
          %and3A_416 = arith.andi %or3A_413, %not3A_415 : i1
          %convert_element_type3A_417 = arith.extui %and3A_416 : i1 to i32
          %cond3A_418 = arith.constant 0 : i32
          %cond3A_419 = arith.cmpi ne, %convert_element_type3A_417, %cond3A_418 : i32
          scf.if %cond3A_419 {
            "tpu.trace_start"() <{level = 10 : i32, message = "ep_wait_out"}> : () -> ()
            %rem3A_446 = arith.constant 2 : i32
            %rem3A_447 = arith.remui %while3A_188, %rem3A_446 : i32
            %mul3A_448 = arith.constant 128 : i32
            %mul3A_449 = arith.muli %mul3A_448, %add3A_207 : i32
            %dma_wait3A = arith.constant 0 : i32
            %dma_wait3A_450 = arith.constant 0 : i32
            %dma_wait3A_451 = tpu.memref_slice %run_scoped3A_22[%rem3A_447, %dma_wait3A, %dma_wait3A_450] : memref<2x128x128xf32, #tpu.memory_space<vmem>> -> memref<1x128x128xf32, #tpu.memory_space<vmem>>
            %dma_wait3A_452 = tpu.memref_squeeze %dma_wait3A_451 : memref<1x128x128xf32, #tpu.memory_space<vmem>> -> memref<128x128xf32, #tpu.memory_space<vmem>>
            %dma_wait3A_453 = arith.constant 0 : i32
            %dma_wait3A_454 = tpu.memref_slice %arg7[%mul3A_449, %dma_wait3A_453] : memref<800000x128xf32, #tpu.memory_space<hbm>> -> memref<128x128xf32, #tpu.memory_space<hbm>>
            %dma_wait3A_455 = tpu.memref_slice %run_scoped3A_23[%rem3A_447] : memref<2x!tpu.dma_semaphore, #tpu.memory_space<semaphore_mem>> -> memref<1x!tpu.dma_semaphore, #tpu.memory_space<semaphore_mem>>
            %dma_wait3A_456 = tpu.memref_squeeze %dma_wait3A_455 : memref<1x!tpu.dma_semaphore, #tpu.memory_space<semaphore_mem>> -> memref<!tpu.dma_semaphore, #tpu.memory_space<semaphore_mem>>
            %dma_wait3A_457 = arith.constant 0 : i32
            %dma_wait3A_458 = tpu.memref_slice %arg7[%mul3A_449, %dma_wait3A_457] : memref<800000x128xf32, #tpu.memory_space<hbm>> -> memref<128x128xf32, #tpu.memory_space<hbm>>
            %dma_wait3A_459 = arith.constant 0 : i32
            %dma_wait3A_460 = arith.constant 0 : i32
            %dma_wait3A_461 = tpu.memref_slice %run_scoped3A_22[%rem3A_447, %dma_wait3A_459, %dma_wait3A_460] : memref<2x128x128xf32, #tpu.memory_space<vmem>> -> memref<1x128x128xf32, #tpu.memory_space<vmem>>
            %dma_wait3A_462 = tpu.memref_squeeze %dma_wait3A_461 : memref<1x128x128xf32, #tpu.memory_space<vmem>> -> memref<128x128xf32, #tpu.memory_space<vmem>>
            tpu.wait_dma2 semaphore(%dma_wait3A_456 : memref<!tpu.dma_semaphore, #tpu.memory_space<semaphore_mem>>) src(%dma_wait3A_462 : memref<128x128xf32, #tpu.memory_space<vmem>>) dst(%dma_wait3A_458 : memref<128x128xf32, #tpu.memory_space<hbm>>)
            "tpu.trace_stop"() : () -> ()
          } else {
          }
          %and3A_420 = arith.constant true
          %and3A_421 = arith.andi %and3A_416, %and3A_420 : i1
          %add3A_422 = arith.constant 1 : i32
          %add3A_423 = arith.addi %while3A_188, %add3A_422 : i32
          %select_n3A_424 = arith.select %and3A_421, %add3A_423, %while3A_188 : i32
          %ne3A_425 = arith.cmpi ne, %add3A_197, %add3A_215 : i32
          %or3A_426 = arith.constant false
          %or3A_427 = arith.ori %or3A_426, %ne3A_425 : i1
          %or3A_428 = arith.ori %or3A_427, %eq3A_196 : i1
          %add3A_429 = arith.constant 1 : i32
          %add3A_430 = arith.addi %while3A_182, %add3A_429 : i32
          %select_n3A_431 = arith.select %or3A_428, %add3A_430, %while3A_182 : i32
          %ne3A_432 = arith.cmpi ne, %add3A_197, %add3A_215 : i32
          %or3A_433 = arith.constant false
          %or3A_434 = arith.ori %or3A_433, %ne3A_432 : i1
          %or3A_435 = arith.ori %or3A_434, %eq3A_196 : i1
          %add3A_436 = arith.constant 1 : i32
          %add3A_437 = arith.addi %while3A_184, %add3A_436 : i32
          %select_n3A_438 = arith.select %or3A_435, %add3A_437, %while3A_184 : i32
          %add3A_439 = arith.constant 1 : i32
          %add3A_440 = arith.addi %while3A_189, %add3A_439 : i32
          %select_n3A_441 = arith.constant true
          %select_n3A_442 = arith.select %select_n3A_441, %add3A_440, %while3A_189 : i32
          %eq3A_443 = arith.cmpi eq, %select_n3A_442, %select_n3A : i32
          %select_n3A_444 = arith.constant 0 : i32
          %select_n3A_445 = arith.select %eq3A_443, %select_n3A_444, %select_n3A_442 : i32
          scf.yield %select_n3A_237, %select_n3A_431, %select_n3A_256, %select_n3A_438, %select_n3A_356, %select_n3A_408, %select_n3A_370, %select_n3A_424, %select_n3A_445 : i32, i32, i32, i32, i32, i32, i32, i32, i32
        }
        %while3A_121 = arith.constant 1 : i32
        %while3A_122:9 = scf.for %while3A_180 = %while3A_118 to %while3A_114 step %while3A_121 iter_args(%while3A_181 = %while3A_120#0, %while3A_182 = %while3A_120#1, %while3A_183 = %while3A_120#2, %while3A_184 = %while3A_120#3, %while3A_185 = %while3A_120#4, %while3A_186 = %while3A_120#5, %while3A_187 = %while3A_120#6, %while3A_188 = %while3A_120#7, %while3A_189 = %while3A_120#8) -> (i32, i32, i32, i32, i32, i32, i32, i32, i32)  : i32 {
          %mul3A_190 = arith.constant 1 : i32
          %mul3A_191 = arith.muli %mul3A_190, %select_n3A : i32
          %eq3A_192 = arith.constant 0 : i32
          %eq3A_193 = arith.cmpi eq, %while3A_180, %eq3A_192 : i32
          %sub3A_194 = arith.constant 1 : i32
          %sub3A_195 = arith.subi %mul3A_191, %sub3A_194 : i32
          %eq3A_196 = arith.cmpi eq, %while3A_180, %sub3A_195 : i32
          %add3A_197 = arith.addi %while3A_189, %select_n3A_14 : i32
          %sub3A_198 = arith.constant 1 : i32
          %sub3A_199 = arith.subi %while3A_189, %sub3A_198 : i32
          %select_n3A_200 = arith.constant true
          %select_n3A_201 = arith.select %select_n3A_200, %sub3A_199, %while3A_189 : i32
          %eq3A_202 = arith.constant -1 : i32
          %eq3A_203 = arith.cmpi eq, %select_n3A_201, %eq3A_202 : i32
          %sub3A_204 = arith.constant 1 : i32
          %sub3A_205 = arith.subi %select_n3A, %sub3A_204 : i32
          %select_n3A_206 = arith.select %eq3A_203, %sub3A_205, %select_n3A_201 : i32
          %add3A_207 = arith.addi %select_n3A_206, %select_n3A_14 : i32
          %add3A_208 = arith.constant 1 : i32
          %add3A_209 = arith.addi %while3A_189, %add3A_208 : i32
          %select_n3A_210 = arith.constant true
          %select_n3A_211 = arith.select %select_n3A_210, %add3A_209, %while3A_189 : i32
          %eq3A_212 = arith.cmpi eq, %select_n3A_211, %select_n3A : i32
          %select_n3A_213 = arith.constant 0 : i32
          %select_n3A_214 = arith.select %eq3A_212, %select_n3A_213, %select_n3A_211 : i32
          %add3A_215 = arith.addi %select_n3A_214, %select_n3A_14 : i32
          %add3A_216 = arith.constant 1 : i32
          %add3A_217 = arith.addi %select_n3A_214, %add3A_216 : i32
          %select_n3A_218 = arith.constant true
          %select_n3A_219 = arith.select %select_n3A_218, %add3A_217, %select_n3A_214 : i32
          %eq3A_220 = arith.cmpi eq, %select_n3A_219, %select_n3A : i32
          %select_n3A_221 = arith.constant 0 : i32
          %select_n3A_222 = arith.select %eq3A_220, %select_n3A_221, %select_n3A_219 : i32
          %add3A_223 = arith.addi %select_n3A_222, %select_n3A_14 : i32
          %ne3A = arith.cmpi ne, %add3A_197, %add3A_215 : i32
          %or3A = arith.constant false
          %or3A_224 = arith.ori %or3A, %ne3A : i1
          %sub3A_225 = arith.constant 2 : i32
          %sub3A_226 = arith.subi %mul3A_191, %sub3A_225 : i32
          %add3A_227 = arith.constant 1 : i32
          %add3A_228 = arith.addi %sub3A_226, %add3A_227 : i32
          %ge3A = arith.cmpi sge, %while3A_180, %add3A_228 : i32
          %not3A = arith.constant true
          %not3A_229 = arith.xori %ge3A, %not3A : i1
          %and3A = arith.andi %or3A_224, %not3A_229 : i1
          %convert_element_type3A_230 = arith.extui %and3A : i1 to i32
          %cond3A_231 = arith.constant 0 : i32
          %cond3A_232 = arith.cmpi ne, %convert_element_type3A_230, %cond3A_231 : i32
          scf.if %cond3A_232 {
            "tpu.trace_start"() <{level = 10 : i32, message = "ep_copy_in"}> : () -> ()
            %rem3A_446 = arith.constant 2 : i32
            %rem3A_447 = arith.remui %while3A_181, %rem3A_446 : i32
            %mul3A_448 = arith.constant 128 : i32
            %mul3A_449 = arith.muli %mul3A_448, %add3A_215 : i32
            %dma_start3A_450 = arith.constant 0 : i32
            %dma_start3A_451 = arith.constant 0 : i32
            %dma_start3A_452 = tpu.memref_slice %run_scoped3A[%rem3A_447, %dma_start3A_450, %dma_start3A_451] : memref<2x1x128xi32, #tpu.memory_space<vmem>> -> memref<1x1x128xi32, #tpu.memory_space<vmem>>
            %dma_start3A_453 = tpu.memref_squeeze %dma_start3A_452 : memref<1x1x128xi32, #tpu.memory_space<vmem>> -> memref<1x128xi32, #tpu.memory_space<vmem>>
            %dma_start3A_454 = arith.constant 0 : i32
            %dma_start3A_455 = tpu.memref_slice %arg4[%dma_start3A_454, %mul3A_449] : memref<1x800000xi32, #tpu.memory_space<hbm>> -> memref<1x128xi32, #tpu.memory_space<hbm>>
            %dma_start3A_456 = tpu.memref_slice %run_scoped3A_17[%rem3A_447] : memref<2x!tpu.dma_semaphore, #tpu.memory_space<semaphore_mem>> -> memref<1x!tpu.dma_semaphore, #tpu.memory_space<semaphore_mem>>
            %dma_start3A_457 = tpu.memref_squeeze %dma_start3A_456 : memref<1x!tpu.dma_semaphore, #tpu.memory_space<semaphore_mem>> -> memref<!tpu.dma_semaphore, #tpu.memory_space<semaphore_mem>>
            %dma_start3A_458 = arith.constant 0 : i32
            %dma_start3A_459 = arith.constant 0 : i32
            %dma_start3A_460 = tpu.memref_slice %run_scoped3A[%rem3A_447, %dma_start3A_458, %dma_start3A_459] : memref<2x1x128xi32, #tpu.memory_space<vmem>> -> memref<1x1x128xi32, #tpu.memory_space<vmem>>
            %dma_start3A_461 = tpu.memref_squeeze %dma_start3A_460 : memref<1x1x128xi32, #tpu.memory_space<vmem>> -> memref<1x128xi32, #tpu.memory_space<vmem>>
            %dma_start3A_462 = arith.constant 0 : i32
            %dma_start3A_463 = tpu.memref_slice %arg4[%dma_start3A_462, %mul3A_449] : memref<1x800000xi32, #tpu.memory_space<hbm>> -> memref<1x128xi32, #tpu.memory_space<hbm>>
            tpu.enqueue_dma source(%dma_start3A_463 : memref<1x128xi32, #tpu.memory_space<hbm>>) target(%dma_start3A_461 : memref<1x128xi32, #tpu.memory_space<vmem>>) target_semaphore(%dma_start3A_457 : memref<!tpu.dma_semaphore, #tpu.memory_space<semaphore_mem>>)
            "tpu.trace_stop"() : () -> ()
          } else {
          }
          %and3A_233 = arith.constant true
          %and3A_234 = arith.andi %and3A, %and3A_233 : i1
          %add3A_235 = arith.constant 1 : i32
          %add3A_236 = arith.addi %while3A_181, %add3A_235 : i32
          %select_n3A_237 = arith.select %and3A_234, %add3A_236, %while3A_181 : i32
          %ne3A_238 = arith.cmpi ne, %add3A_197, %add3A_215 : i32
          %or3A_239 = arith.constant false
          %or3A_240 = arith.ori %or3A_239, %ne3A_238 : i1
          %sub3A_241 = arith.constant 2 : i32
          %sub3A_242 = arith.subi %mul3A_191, %sub3A_241 : i32
          %add3A_243 = arith.constant 1 : i32
          %add3A_244 = arith.addi %sub3A_242, %add3A_243 : i32
          %ge3A_245 = arith.cmpi sge, %while3A_180, %add3A_244 : i32
          %not3A_246 = arith.constant true
          %not3A_247 = arith.xori %ge3A_245, %not3A_246 : i1
          %and3A_248 = arith.andi %or3A_240, %not3A_247 : i1
          %convert_element_type3A_249 = arith.extui %and3A_248 : i1 to i32
          %cond3A_250 = arith.constant 0 : i32
          %cond3A_251 = arith.cmpi ne, %convert_element_type3A_249, %cond3A_250 : i32
          scf.if %cond3A_251 {
            "tpu.trace_start"() <{level = 10 : i32, message = "ep_copy_in"}> : () -> ()
            %rem3A_446 = arith.constant 2 : i32
            %rem3A_447 = arith.remui %while3A_183, %rem3A_446 : i32
            %mul3A_448 = arith.constant 128 : i32
            %mul3A_449 = arith.muli %mul3A_448, %add3A_215 : i32
            %dma_start3A_450 = arith.constant 0 : i32
            %dma_start3A_451 = arith.constant 0 : i32
            %dma_start3A_452 = tpu.memref_slice %run_scoped3A_18[%rem3A_447, %dma_start3A_450, %dma_start3A_451] : memref<2x1x128xi32, #tpu.memory_space<vmem>> -> memref<1x1x128xi32, #tpu.memory_space<vmem>>
            %dma_start3A_453 = tpu.memref_squeeze %dma_start3A_452 : memref<1x1x128xi32, #tpu.memory_space<vmem>> -> memref<1x128xi32, #tpu.memory_space<vmem>>
            %dma_start3A_454 = arith.constant 0 : i32
            %dma_start3A_455 = tpu.memref_slice %arg5[%dma_start3A_454, %mul3A_449] : memref<1x800000xi32, #tpu.memory_space<hbm>> -> memref<1x128xi32, #tpu.memory_space<hbm>>
            %dma_start3A_456 = tpu.memref_slice %run_scoped3A_19[%rem3A_447] : memref<2x!tpu.dma_semaphore, #tpu.memory_space<semaphore_mem>> -> memref<1x!tpu.dma_semaphore, #tpu.memory_space<semaphore_mem>>
            %dma_start3A_457 = tpu.memref_squeeze %dma_start3A_456 : memref<1x!tpu.dma_semaphore, #tpu.memory_space<semaphore_mem>> -> memref<!tpu.dma_semaphore, #tpu.memory_space<semaphore_mem>>
            %dma_start3A_458 = arith.constant 0 : i32
            %dma_start3A_459 = arith.constant 0 : i32
            %dma_start3A_460 = tpu.memref_slice %run_scoped3A_18[%rem3A_447, %dma_start3A_458, %dma_start3A_459] : memref<2x1x128xi32, #tpu.memory_space<vmem>> -> memref<1x1x128xi32, #tpu.memory_space<vmem>>
            %dma_start3A_461 = tpu.memref_squeeze %dma_start3A_460 : memref<1x1x128xi32, #tpu.memory_space<vmem>> -> memref<1x128xi32, #tpu.memory_space<vmem>>
            %dma_start3A_462 = arith.constant 0 : i32
            %dma_start3A_463 = tpu.memref_slice %arg5[%dma_start3A_462, %mul3A_449] : memref<1x800000xi32, #tpu.memory_space<hbm>> -> memref<1x128xi32, #tpu.memory_space<hbm>>
            tpu.enqueue_dma source(%dma_start3A_463 : memref<1x128xi32, #tpu.memory_space<hbm>>) target(%dma_start3A_461 : memref<1x128xi32, #tpu.memory_space<vmem>>) target_semaphore(%dma_start3A_457 : memref<!tpu.dma_semaphore, #tpu.memory_space<semaphore_mem>>)
            "tpu.trace_stop"() : () -> ()
          } else {
          }
          %and3A_252 = arith.constant true
          %and3A_253 = arith.andi %and3A_248, %and3A_252 : i1
          %add3A_254 = arith.constant 1 : i32
          %add3A_255 = arith.addi %while3A_183, %add3A_254 : i32
          %select_n3A_256 = arith.select %and3A_253, %add3A_255, %while3A_183 : i32
          %ne3A_257 = arith.cmpi ne, %add3A_197, %add3A_215 : i32
          %or3A_258 = arith.constant false
          %or3A_259 = arith.ori %or3A_258, %ne3A_257 : i1
          %or3A_260 = arith.constant false
          %or3A_261 = arith.ori %or3A_259, %or3A_260 : i1
          %sub3A_262 = arith.constant 2 : i32
          %sub3A_263 = arith.subi %mul3A_191, %sub3A_262 : i32
          %add3A_264 = arith.constant 1 : i32
          %add3A_265 = arith.addi %sub3A_263, %add3A_264 : i32
          %ge3A_266 = arith.cmpi sge, %while3A_180, %add3A_265 : i32
          %not3A_267 = arith.constant true
          %not3A_268 = arith.xori %ge3A_266, %not3A_267 : i1
          %and3A_269 = arith.andi %or3A_261, %not3A_268 : i1
          %ne3A_270 = arith.cmpi ne, %add3A_197, %add3A_215 : i32
          %or3A_271 = arith.constant false
          %or3A_272 = arith.ori %or3A_271, %ne3A_270 : i1
          %or3A_273 = arith.constant false
          %or3A_274 = arith.ori %or3A_272, %or3A_273 : i1
          %sub3A_275 = arith.constant 2 : i32
          %sub3A_276 = arith.subi %mul3A_191, %sub3A_275 : i32
          %add3A_277 = arith.constant 1 : i32
          %add3A_278 = arith.addi %sub3A_276, %add3A_277 : i32
          %ge3A_279 = arith.cmpi sge, %while3A_180, %add3A_278 : i32
          %not3A_280 = arith.constant true
          %not3A_281 = arith.xori %ge3A_279, %not3A_280 : i1
          %and3A_282 = arith.andi %or3A_274, %not3A_281 : i1
          %ne3A_283 = arith.cmpi ne, %add3A_197, %add3A_207 : i32
          %or3A_284 = arith.constant false
          %or3A_285 = arith.ori %or3A_284, %ne3A_283 : i1
          %or3A_286 = arith.ori %or3A_285, %eq3A_193 : i1
          %convert_element_type3A_287 = arith.extui %or3A_286 : i1 to i32
          %cond3A_288 = arith.constant 0 : i32
          %cond3A_289 = arith.cmpi ne, %convert_element_type3A_287, %cond3A_288 : i32
          scf.if %cond3A_289 {
            "tpu.trace_start"() <{level = 10 : i32, message = "ep_wait_in"}> : () -> ()
            %mul3A_446 = arith.constant 128 : i32
            %mul3A_447 = arith.muli %mul3A_446, %add3A_197 : i32
            %rem3A_448 = arith.constant 2 : i32
            %rem3A_449 = arith.remui %while3A_182, %rem3A_448 : i32
            %dma_wait3A = arith.constant 0 : i32
            %dma_wait3A_450 = arith.constant 0 : i32
            %dma_wait3A_451 = tpu.memref_slice %run_scoped3A[%rem3A_449, %dma_wait3A, %dma_wait3A_450] : memref<2x1x128xi32, #tpu.memory_space<vmem>> -> memref<1x1x128xi32, #tpu.memory_space<vmem>>
            %dma_wait3A_452 = tpu.memref_squeeze %dma_wait3A_451 : memref<1x1x128xi32, #tpu.memory_space<vmem>> -> memref<1x128xi32, #tpu.memory_space<vmem>>
            %dma_wait3A_453 = arith.constant 0 : i32
            %dma_wait3A_454 = tpu.memref_slice %arg4[%dma_wait3A_453, %mul3A_447] : memref<1x800000xi32, #tpu.memory_space<hbm>> -> memref<1x128xi32, #tpu.memory_space<hbm>>
            %dma_wait3A_455 = tpu.memref_slice %run_scoped3A_17[%rem3A_449] : memref<2x!tpu.dma_semaphore, #tpu.memory_space<semaphore_mem>> -> memref<1x!tpu.dma_semaphore, #tpu.memory_space<semaphore_mem>>
            %dma_wait3A_456 = tpu.memref_squeeze %dma_wait3A_455 : memref<1x!tpu.dma_semaphore, #tpu.memory_space<semaphore_mem>> -> memref<!tpu.dma_semaphore, #tpu.memory_space<semaphore_mem>>
            %dma_wait3A_457 = arith.constant 0 : i32
            %dma_wait3A_458 = arith.constant 0 : i32
            %dma_wait3A_459 = tpu.memref_slice %run_scoped3A[%rem3A_449, %dma_wait3A_457, %dma_wait3A_458] : memref<2x1x128xi32, #tpu.memory_space<vmem>> -> memref<1x1x128xi32, #tpu.memory_space<vmem>>
            %dma_wait3A_460 = tpu.memref_squeeze %dma_wait3A_459 : memref<1x1x128xi32, #tpu.memory_space<vmem>> -> memref<1x128xi32, #tpu.memory_space<vmem>>
            %dma_wait3A_461 = arith.constant 0 : i32
            %dma_wait3A_462 = tpu.memref_slice %arg4[%dma_wait3A_461, %mul3A_447] : memref<1x800000xi32, #tpu.memory_space<hbm>> -> memref<1x128xi32, #tpu.memory_space<hbm>>
            tpu.wait_dma2 semaphore(%dma_wait3A_456 : memref<!tpu.dma_semaphore, #tpu.memory_space<semaphore_mem>>) src(%dma_wait3A_462 : memref<1x128xi32, #tpu.memory_space<hbm>>) dst(%dma_wait3A_460 : memref<1x128xi32, #tpu.memory_space<vmem>>)
            "tpu.trace_stop"() : () -> ()
          } else {
          }
          %ne3A_290 = arith.cmpi ne, %add3A_197, %add3A_207 : i32
          %or3A_291 = arith.constant false
          %or3A_292 = arith.ori %or3A_291, %ne3A_290 : i1
          %or3A_293 = arith.ori %or3A_292, %eq3A_193 : i1
          %convert_element_type3A_294 = arith.extui %or3A_293 : i1 to i32
          %cond3A_295 = arith.constant 0 : i32
          %cond3A_296 = arith.cmpi ne, %convert_element_type3A_294, %cond3A_295 : i32
          scf.if %cond3A_296 {
            "tpu.trace_start"() <{level = 10 : i32, message = "ep_wait_in"}> : () -> ()
            %mul3A_446 = arith.constant 128 : i32
            %mul3A_447 = arith.muli %mul3A_446, %add3A_197 : i32
            %rem3A_448 = arith.constant 2 : i32
            %rem3A_449 = arith.remui %while3A_184, %rem3A_448 : i32
            %dma_wait3A = arith.constant 0 : i32
            %dma_wait3A_450 = arith.constant 0 : i32
            %dma_wait3A_451 = tpu.memref_slice %run_scoped3A_18[%rem3A_449, %dma_wait3A, %dma_wait3A_450] : memref<2x1x128xi32, #tpu.memory_space<vmem>> -> memref<1x1x128xi32, #tpu.memory_space<vmem>>
            %dma_wait3A_452 = tpu.memref_squeeze %dma_wait3A_451 : memref<1x1x128xi32, #tpu.memory_space<vmem>> -> memref<1x128xi32, #tpu.memory_space<vmem>>
            %dma_wait3A_453 = arith.constant 0 : i32
            %dma_wait3A_454 = tpu.memref_slice %arg5[%dma_wait3A_453, %mul3A_447] : memref<1x800000xi32, #tpu.memory_space<hbm>> -> memref<1x128xi32, #tpu.memory_space<hbm>>
            %dma_wait3A_455 = tpu.memref_slice %run_scoped3A_19[%rem3A_449] : memref<2x!tpu.dma_semaphore, #tpu.memory_space<semaphore_mem>> -> memref<1x!tpu.dma_semaphore, #tpu.memory_space<semaphore_mem>>
            %dma_wait3A_456 = tpu.memref_squeeze %dma_wait3A_455 : memref<1x!tpu.dma_semaphore, #tpu.memory_space<semaphore_mem>> -> memref<!tpu.dma_semaphore, #tpu.memory_space<semaphore_mem>>
            %dma_wait3A_457 = arith.constant 0 : i32
            %dma_wait3A_458 = arith.constant 0 : i32
            %dma_wait3A_459 = tpu.memref_slice %run_scoped3A_18[%rem3A_449, %dma_wait3A_457, %dma_wait3A_458] : memref<2x1x128xi32, #tpu.memory_space<vmem>> -> memref<1x1x128xi32, #tpu.memory_space<vmem>>
            %dma_wait3A_460 = tpu.memref_squeeze %dma_wait3A_459 : memref<1x1x128xi32, #tpu.memory_space<vmem>> -> memref<1x128xi32, #tpu.memory_space<vmem>>
            %dma_wait3A_461 = arith.constant 0 : i32
            %dma_wait3A_462 = tpu.memref_slice %arg5[%dma_wait3A_461, %mul3A_447] : memref<1x800000xi32, #tpu.memory_space<hbm>> -> memref<1x128xi32, #tpu.memory_space<hbm>>
            tpu.wait_dma2 semaphore(%dma_wait3A_456 : memref<!tpu.dma_semaphore, #tpu.memory_space<semaphore_mem>>) src(%dma_wait3A_462 : memref<1x128xi32, #tpu.memory_space<hbm>>) dst(%dma_wait3A_460 : memref<1x128xi32, #tpu.memory_space<vmem>>)
            "tpu.trace_stop"() : () -> ()
          } else {
          }
          %ne3A_297 = arith.cmpi ne, %add3A_197, %add3A_207 : i32
          %or3A_298 = arith.constant false
          %or3A_299 = arith.ori %or3A_298, %ne3A_297 : i1
          %or3A_300 = arith.constant false
          %or3A_301 = arith.ori %or3A_299, %or3A_300 : i1
          %or3A_302 = arith.ori %or3A_301, %eq3A_193 : i1
          %convert_element_type3A_303 = arith.extui %or3A_302 : i1 to i32
          %cond3A_304 = arith.constant 0 : i32
          %cond3A_305 = arith.cmpi ne, %convert_element_type3A_303, %cond3A_304 : i32
          scf.if %cond3A_305 {
          } else {
          }
          %ne3A_306 = arith.cmpi ne, %add3A_197, %add3A_207 : i32
          %or3A_307 = arith.constant false
          %or3A_308 = arith.ori %or3A_307, %ne3A_306 : i1
          %or3A_309 = arith.constant false
          %or3A_310 = arith.ori %or3A_308, %or3A_309 : i1
          %or3A_311 = arith.ori %or3A_310, %eq3A_193 : i1
          %convert_element_type3A_312 = arith.extui %or3A_311 : i1 to i32
          %cond3A_313 = arith.constant 0 : i32
          %cond3A_314 = arith.cmpi ne, %convert_element_type3A_312, %cond3A_313 : i32
          scf.if %cond3A_314 {
          } else {
          }
          %rem3A_315 = arith.constant 2 : i32
          %rem3A_316 = arith.remui %while3A_182, %rem3A_315 : i32
          %rem3A_317 = arith.constant 2 : i32
          %rem3A_318 = arith.remui %while3A_184, %rem3A_317 : i32
          %rem3A_319 = arith.constant 2 : i32
          %rem3A_320 = arith.remui %while3A_185, %rem3A_319 : i32
          %rem3A_321 = arith.constant 2 : i32
          %rem3A_322 = arith.remui %while3A_187, %rem3A_321 : i32
          %run_scoped3A_323 = arith.constant 0 : i32
          "tpu.trace_start"() <{level = 10 : i32, message = "ep_run_kernel"}> : () -> ()
          "tpu.region"() ({
            %run_scoped3A_446 = tpu.sem_alloc : memref<!tpu.dma_semaphore, #tpu.memory_space<semaphore_mem>>
            %dma_start3A_447 = arith.constant 0 : i32
            %dma_start3A_448 = arith.constant 0 : i32
            %dma_start3A_449 = tpu.memref_slice %run_scoped3A_20[%rem3A_320, %dma_start3A_447, %dma_start3A_448] : memref<2x128x64xf32, #tpu.memory_space<vmem>> -> memref<1x128x64xf32, #tpu.memory_space<vmem>>
            %dma_start3A_450 = tpu.memref_squeeze %dma_start3A_449 : memref<1x128x64xf32, #tpu.memory_space<vmem>> -> memref<128x64xf32, #tpu.memory_space<vmem>>
            %dma_start3A_451 = arith.constant 0 : i32
            %dma_start3A_452 = arith.constant 0 : i32
            %dma_start3A_453 = tpu.memref_slice %run_scoped3A[%rem3A_316, %dma_start3A_451, %dma_start3A_452] : memref<2x1x128xi32, #tpu.memory_space<vmem>> -> memref<1x1x128xi32, #tpu.memory_space<vmem>>
            %dma_start3A_454 = tpu.memref_squeeze %dma_start3A_453 : memref<1x1x128xi32, #tpu.memory_space<vmem>> -> memref<1x128xi32, #tpu.memory_space<vmem>>
            %dma_start3A_455 = arith.constant 0 : i32
            %dma_start3A_456 = tpu.memref_slice %dma_start3A_454[%run_scoped3A_323, %dma_start3A_455] : memref<1x128xi32, #tpu.memory_space<vmem>> -> memref<1x128xi32, #tpu.memory_space<vmem>>
            %dma_start3A_457 = tpu.memref_squeeze %dma_start3A_456 : memref<1x128xi32, #tpu.memory_space<vmem>> -> memref<128xi32, #tpu.memory_space<vmem>>
            %dma_start3A_458 = arith.constant 0 : i32
            %dma_start3A_459 = arith.constant 0 : i32
            %dma_start3A_460 = tpu.memref_slice %arg2[%dma_start3A_458, %dma_start3A_459] : memref<50000x64xf32, #tpu.memory_space<hbm>> -> memref<50000x64xf32, #tpu.memory_space<hbm>>
            tpu.enqueue_indirect_dma source(%dma_start3A_460 : memref<50000x64xf32, #tpu.memory_space<hbm>>) target(%dma_start3A_450 : memref<128x64xf32, #tpu.memory_space<vmem>>) offsets(%dma_start3A_457 : memref<128xi32, #tpu.memory_space<vmem>>) semaphore(%run_scoped3A_446 : memref<!tpu.dma_semaphore, #tpu.memory_space<semaphore_mem>>)
            %dma_wait3A = arith.constant 0 : i32
            %dma_wait3A_461 = arith.constant 0 : i32
            %dma_wait3A_462 = tpu.memref_slice %run_scoped3A_20[%rem3A_320, %dma_wait3A, %dma_wait3A_461] : memref<2x128x64xf32, #tpu.memory_space<vmem>> -> memref<1x128x64xf32, #tpu.memory_space<vmem>>
            %dma_wait3A_463 = tpu.memref_squeeze %dma_wait3A_462 : memref<1x128x64xf32, #tpu.memory_space<vmem>> -> memref<128x64xf32, #tpu.memory_space<vmem>>
            %dma_wait3A_464 = arith.constant 0 : i32
            %dma_wait3A_465 = arith.constant 0 : i32
            %dma_wait3A_466 = tpu.memref_slice %run_scoped3A[%rem3A_316, %dma_wait3A_464, %dma_wait3A_465] : memref<2x1x128xi32, #tpu.memory_space<vmem>> -> memref<1x1x128xi32, #tpu.memory_space<vmem>>
            %dma_wait3A_467 = tpu.memref_squeeze %dma_wait3A_466 : memref<1x1x128xi32, #tpu.memory_space<vmem>> -> memref<1x128xi32, #tpu.memory_space<vmem>>
            %dma_wait3A_468 = arith.constant 0 : i32
            %dma_wait3A_469 = tpu.memref_slice %dma_wait3A_467[%run_scoped3A_323, %dma_wait3A_468] : memref<1x128xi32, #tpu.memory_space<vmem>> -> memref<1x128xi32, #tpu.memory_space<vmem>>
            %dma_wait3A_470 = tpu.memref_squeeze %dma_wait3A_469 : memref<1x128xi32, #tpu.memory_space<vmem>> -> memref<128xi32, #tpu.memory_space<vmem>>
            %dma_wait3A_471 = arith.constant 0 : i32
            %dma_wait3A_472 = arith.constant 0 : i32
            %dma_wait3A_473 = tpu.memref_slice %arg2[%dma_wait3A_471, %dma_wait3A_472] : memref<50000x64xf32, #tpu.memory_space<hbm>> -> memref<50000x64xf32, #tpu.memory_space<hbm>>
            tpu.wait_indirect_dma semaphore(%run_scoped3A_446 : memref<!tpu.dma_semaphore, #tpu.memory_space<semaphore_mem>>) src(%dma_wait3A_473 : memref<50000x64xf32, #tpu.memory_space<hbm>>) dst(%dma_wait3A_463 : memref<128x64xf32, #tpu.memory_space<vmem>>)
            tpu.yield
          }) : () -> ()
          %run_scoped3A_324 = arith.constant 0 : i32
          "tpu.region"() ({
            %run_scoped3A_446 = tpu.sem_alloc : memref<!tpu.dma_semaphore, #tpu.memory_space<semaphore_mem>>
            %dma_start3A_447 = arith.constant 0 : i32
            %dma_start3A_448 = arith.constant 0 : i32
            %dma_start3A_449 = tpu.memref_slice %run_scoped3A_22[%rem3A_322, %dma_start3A_447, %dma_start3A_448] : memref<2x128x128xf32, #tpu.memory_space<vmem>> -> memref<1x128x128xf32, #tpu.memory_space<vmem>>
            %dma_start3A_450 = tpu.memref_squeeze %dma_start3A_449 : memref<1x128x128xf32, #tpu.memory_space<vmem>> -> memref<128x128xf32, #tpu.memory_space<vmem>>
            %dma_start3A_451 = arith.constant 0 : i32
            %dma_start3A_452 = arith.constant 0 : i32
            %dma_start3A_453 = tpu.memref_slice %run_scoped3A_18[%rem3A_318, %dma_start3A_451, %dma_start3A_452] : memref<2x1x128xi32, #tpu.memory_space<vmem>> -> memref<1x1x128xi32, #tpu.memory_space<vmem>>
            %dma_start3A_454 = tpu.memref_squeeze %dma_start3A_453 : memref<1x1x128xi32, #tpu.memory_space<vmem>> -> memref<1x128xi32, #tpu.memory_space<vmem>>
            %dma_start3A_455 = arith.constant 0 : i32
            %dma_start3A_456 = tpu.memref_slice %dma_start3A_454[%run_scoped3A_324, %dma_start3A_455] : memref<1x128xi32, #tpu.memory_space<vmem>> -> memref<1x128xi32, #tpu.memory_space<vmem>>
            %dma_start3A_457 = tpu.memref_squeeze %dma_start3A_456 : memref<1x128xi32, #tpu.memory_space<vmem>> -> memref<128xi32, #tpu.memory_space<vmem>>
            %dma_start3A_458 = arith.constant 0 : i32
            %dma_start3A_459 = arith.constant 0 : i32
            %dma_start3A_460 = tpu.memref_slice %arg3[%dma_start3A_458, %dma_start3A_459] : memref<50000x128xf32, #tpu.memory_space<hbm>> -> memref<50000x128xf32, #tpu.memory_space<hbm>>
            tpu.enqueue_indirect_dma source(%dma_start3A_460 : memref<50000x128xf32, #tpu.memory_space<hbm>>) target(%dma_start3A_450 : memref<128x128xf32, #tpu.memory_space<vmem>>) offsets(%dma_start3A_457 : memref<128xi32, #tpu.memory_space<vmem>>) semaphore(%run_scoped3A_446 : memref<!tpu.dma_semaphore, #tpu.memory_space<semaphore_mem>>)
            %dma_wait3A = arith.constant 0 : i32
            %dma_wait3A_461 = arith.constant 0 : i32
            %dma_wait3A_462 = tpu.memref_slice %run_scoped3A_22[%rem3A_322, %dma_wait3A, %dma_wait3A_461] : memref<2x128x128xf32, #tpu.memory_space<vmem>> -> memref<1x128x128xf32, #tpu.memory_space<vmem>>
            %dma_wait3A_463 = tpu.memref_squeeze %dma_wait3A_462 : memref<1x128x128xf32, #tpu.memory_space<vmem>> -> memref<128x128xf32, #tpu.memory_space<vmem>>
            %dma_wait3A_464 = arith.constant 0 : i32
            %dma_wait3A_465 = arith.constant 0 : i32
            %dma_wait3A_466 = tpu.memref_slice %run_scoped3A_18[%rem3A_318, %dma_wait3A_464, %dma_wait3A_465] : memref<2x1x128xi32, #tpu.memory_space<vmem>> -> memref<1x1x128xi32, #tpu.memory_space<vmem>>
            %dma_wait3A_467 = tpu.memref_squeeze %dma_wait3A_466 : memref<1x1x128xi32, #tpu.memory_space<vmem>> -> memref<1x128xi32, #tpu.memory_space<vmem>>
            %dma_wait3A_468 = arith.constant 0 : i32
            %dma_wait3A_469 = tpu.memref_slice %dma_wait3A_467[%run_scoped3A_324, %dma_wait3A_468] : memref<1x128xi32, #tpu.memory_space<vmem>> -> memref<1x128xi32, #tpu.memory_space<vmem>>
            %dma_wait3A_470 = tpu.memref_squeeze %dma_wait3A_469 : memref<1x128xi32, #tpu.memory_space<vmem>> -> memref<128xi32, #tpu.memory_space<vmem>>
            %dma_wait3A_471 = arith.constant 0 : i32
            %dma_wait3A_472 = arith.constant 0 : i32
            %dma_wait3A_473 = tpu.memref_slice %arg3[%dma_wait3A_471, %dma_wait3A_472] : memref<50000x128xf32, #tpu.memory_space<hbm>> -> memref<50000x128xf32, #tpu.memory_space<hbm>>
            tpu.wait_indirect_dma semaphore(%run_scoped3A_446 : memref<!tpu.dma_semaphore, #tpu.memory_space<semaphore_mem>>) src(%dma_wait3A_473 : memref<50000x128xf32, #tpu.memory_space<hbm>>) dst(%dma_wait3A_463 : memref<128x128xf32, #tpu.memory_space<vmem>>)
            tpu.yield
          }) : () -> ()
          "tpu.trace_stop"() : () -> ()
          %ne3A_325 = arith.cmpi ne, %add3A_197, %add3A_215 : i32
          %or3A_326 = arith.constant false
          %or3A_327 = arith.ori %or3A_326, %ne3A_325 : i1
          %or3A_328 = arith.ori %or3A_327, %eq3A_196 : i1
          %convert_element_type3A_329 = arith.extui %or3A_328 : i1 to i32
          %cond3A_330 = arith.constant 0 : i32
          %cond3A_331 = arith.cmpi ne, %convert_element_type3A_329, %cond3A_330 : i32
          scf.if %cond3A_331 {
          } else {
          }
          %and3A_332 = arith.constant false
          %and3A_333 = arith.andi %or3A_328, %and3A_332 : i1
          %ne3A_334 = arith.cmpi ne, %add3A_197, %add3A_215 : i32
          %or3A_335 = arith.constant false
          %or3A_336 = arith.ori %or3A_335, %ne3A_334 : i1
          %or3A_337 = arith.ori %or3A_336, %eq3A_196 : i1
          %convert_element_type3A_338 = arith.extui %or3A_337 : i1 to i32
          %cond3A_339 = arith.constant 0 : i32
          %cond3A_340 = arith.cmpi ne, %convert_element_type3A_338, %cond3A_339 : i32
          scf.if %cond3A_340 {
          } else {
          }
          %and3A_341 = arith.constant false
          %and3A_342 = arith.andi %or3A_337, %and3A_341 : i1
          %ne3A_343 = arith.cmpi ne, %add3A_197, %add3A_215 : i32
          %or3A_344 = arith.constant false
          %or3A_345 = arith.ori %or3A_344, %ne3A_343 : i1
          %or3A_346 = arith.constant false
          %or3A_347 = arith.ori %or3A_345, %or3A_346 : i1
          %or3A_348 = arith.ori %or3A_347, %eq3A_196 : i1
          %convert_element_type3A_349 = arith.extui %or3A_348 : i1 to i32
          %cond3A_350 = arith.constant 0 : i32
          %cond3A_351 = arith.cmpi ne, %convert_element_type3A_349, %cond3A_350 : i32
          scf.if %cond3A_351 {
            "tpu.trace_start"() <{level = 10 : i32, message = "ep_copy_out"}> : () -> ()
            %rem3A_446 = arith.constant 2 : i32
            %rem3A_447 = arith.remui %while3A_185, %rem3A_446 : i32
            %mul3A_448 = arith.constant 128 : i32
            %mul3A_449 = arith.muli %mul3A_448, %add3A_197 : i32
            %dma_start3A_450 = arith.constant 0 : i32
            %dma_start3A_451 = arith.constant 0 : i32
            %dma_start3A_452 = tpu.memref_slice %run_scoped3A_20[%rem3A_447, %dma_start3A_450, %dma_start3A_451] : memref<2x128x64xf32, #tpu.memory_space<vmem>> -> memref<1x128x64xf32, #tpu.memory_space<vmem>>
            %dma_start3A_453 = tpu.memref_squeeze %dma_start3A_452 : memref<1x128x64xf32, #tpu.memory_space<vmem>> -> memref<128x64xf32, #tpu.memory_space<vmem>>
            %dma_start3A_454 = arith.constant 0 : i32
            %dma_start3A_455 = tpu.memref_slice %arg6[%mul3A_449, %dma_start3A_454] : memref<800000x64xf32, #tpu.memory_space<hbm>> -> memref<128x64xf32, #tpu.memory_space<hbm>>
            %dma_start3A_456 = tpu.memref_slice %run_scoped3A_21[%rem3A_447] : memref<2x!tpu.dma_semaphore, #tpu.memory_space<semaphore_mem>> -> memref<1x!tpu.dma_semaphore, #tpu.memory_space<semaphore_mem>>
            %dma_start3A_457 = tpu.memref_squeeze %dma_start3A_456 : memref<1x!tpu.dma_semaphore, #tpu.memory_space<semaphore_mem>> -> memref<!tpu.dma_semaphore, #tpu.memory_space<semaphore_mem>>
            %dma_start3A_458 = arith.constant 0 : i32
            %dma_start3A_459 = tpu.memref_slice %arg6[%mul3A_449, %dma_start3A_458] : memref<800000x64xf32, #tpu.memory_space<hbm>> -> memref<128x64xf32, #tpu.memory_space<hbm>>
            %dma_start3A_460 = arith.constant 0 : i32
            %dma_start3A_461 = arith.constant 0 : i32
            %dma_start3A_462 = tpu.memref_slice %run_scoped3A_20[%rem3A_447, %dma_start3A_460, %dma_start3A_461] : memref<2x128x64xf32, #tpu.memory_space<vmem>> -> memref<1x128x64xf32, #tpu.memory_space<vmem>>
            %dma_start3A_463 = tpu.memref_squeeze %dma_start3A_462 : memref<1x128x64xf32, #tpu.memory_space<vmem>> -> memref<128x64xf32, #tpu.memory_space<vmem>>
            tpu.enqueue_dma source(%dma_start3A_463 : memref<128x64xf32, #tpu.memory_space<vmem>>) target(%dma_start3A_459 : memref<128x64xf32, #tpu.memory_space<hbm>>) target_semaphore(%dma_start3A_457 : memref<!tpu.dma_semaphore, #tpu.memory_space<semaphore_mem>>)
            "tpu.trace_stop"() : () -> ()
          } else {
          }
          %and3A_352 = arith.constant true
          %and3A_353 = arith.andi %or3A_348, %and3A_352 : i1
          %add3A_354 = arith.constant 1 : i32
          %add3A_355 = arith.addi %while3A_185, %add3A_354 : i32
          %select_n3A_356 = arith.select %and3A_353, %add3A_355, %while3A_185 : i32
          %ne3A_357 = arith.cmpi ne, %add3A_197, %add3A_215 : i32
          %or3A_358 = arith.constant false
          %or3A_359 = arith.ori %or3A_358, %ne3A_357 : i1
          %or3A_360 = arith.constant false
          %or3A_361 = arith.ori %or3A_359, %or3A_360 : i1
          %or3A_362 = arith.ori %or3A_361, %eq3A_196 : i1
          %convert_element_type3A_363 = arith.extui %or3A_362 : i1 to i32
          %cond3A_364 = arith.constant 0 : i32
          %cond3A_365 = arith.cmpi ne, %convert_element_type3A_363, %cond3A_364 : i32
          scf.if %cond3A_365 {
            "tpu.trace_start"() <{level = 10 : i32, message = "ep_copy_out"}> : () -> ()
            %rem3A_446 = arith.constant 2 : i32
            %rem3A_447 = arith.remui %while3A_187, %rem3A_446 : i32
            %mul3A_448 = arith.constant 128 : i32
            %mul3A_449 = arith.muli %mul3A_448, %add3A_197 : i32
            %dma_start3A_450 = arith.constant 0 : i32
            %dma_start3A_451 = arith.constant 0 : i32
            %dma_start3A_452 = tpu.memref_slice %run_scoped3A_22[%rem3A_447, %dma_start3A_450, %dma_start3A_451] : memref<2x128x128xf32, #tpu.memory_space<vmem>> -> memref<1x128x128xf32, #tpu.memory_space<vmem>>
            %dma_start3A_453 = tpu.memref_squeeze %dma_start3A_452 : memref<1x128x128xf32, #tpu.memory_space<vmem>> -> memref<128x128xf32, #tpu.memory_space<vmem>>
            %dma_start3A_454 = arith.constant 0 : i32
            %dma_start3A_455 = tpu.memref_slice %arg7[%mul3A_449, %dma_start3A_454] : memref<800000x128xf32, #tpu.memory_space<hbm>> -> memref<128x128xf32, #tpu.memory_space<hbm>>
            %dma_start3A_456 = tpu.memref_slice %run_scoped3A_23[%rem3A_447] : memref<2x!tpu.dma_semaphore, #tpu.memory_space<semaphore_mem>> -> memref<1x!tpu.dma_semaphore, #tpu.memory_space<semaphore_mem>>
            %dma_start3A_457 = tpu.memref_squeeze %dma_start3A_456 : memref<1x!tpu.dma_semaphore, #tpu.memory_space<semaphore_mem>> -> memref<!tpu.dma_semaphore, #tpu.memory_space<semaphore_mem>>
            %dma_start3A_458 = arith.constant 0 : i32
            %dma_start3A_459 = tpu.memref_slice %arg7[%mul3A_449, %dma_start3A_458] : memref<800000x128xf32, #tpu.memory_space<hbm>> -> memref<128x128xf32, #tpu.memory_space<hbm>>
            %dma_start3A_460 = arith.constant 0 : i32
            %dma_start3A_461 = arith.constant 0 : i32
            %dma_start3A_462 = tpu.memref_slice %run_scoped3A_22[%rem3A_447, %dma_start3A_460, %dma_start3A_461] : memref<2x128x128xf32, #tpu.memory_space<vmem>> -> memref<1x128x128xf32, #tpu.memory_space<vmem>>
            %dma_start3A_463 = tpu.memref_squeeze %dma_start3A_462 : memref<1x128x128xf32, #tpu.memory_space<vmem>> -> memref<128x128xf32, #tpu.memory_space<vmem>>
            tpu.enqueue_dma source(%dma_start3A_463 : memref<128x128xf32, #tpu.memory_space<vmem>>) target(%dma_start3A_459 : memref<128x128xf32, #tpu.memory_space<hbm>>) target_semaphore(%dma_start3A_457 : memref<!tpu.dma_semaphore, #tpu.memory_space<semaphore_mem>>)
            "tpu.trace_stop"() : () -> ()
          } else {
          }
          %and3A_366 = arith.constant true
          %and3A_367 = arith.andi %or3A_362, %and3A_366 : i1
          %add3A_368 = arith.constant 1 : i32
          %add3A_369 = arith.addi %while3A_187, %add3A_368 : i32
          %select_n3A_370 = arith.select %and3A_367, %add3A_369, %while3A_187 : i32
          %ne3A_371 = arith.cmpi ne, %add3A_197, %add3A_207 : i32
          %or3A_372 = arith.constant false
          %or3A_373 = arith.ori %or3A_372, %ne3A_371 : i1
          %not3A_374 = arith.constant true
          %not3A_375 = arith.xori %eq3A_193, %not3A_374 : i1
          %and3A_376 = arith.andi %or3A_373, %not3A_375 : i1
          %convert_element_type3A_377 = arith.extui %and3A_376 : i1 to i32
          %cond3A_378 = arith.constant 0 : i32
          %cond3A_379 = arith.cmpi ne, %convert_element_type3A_377, %cond3A_378 : i32
          scf.if %cond3A_379 {
          } else {
          }
          %and3A_380 = arith.constant false
          %and3A_381 = arith.andi %and3A_376, %and3A_380 : i1
          %ne3A_382 = arith.cmpi ne, %add3A_197, %add3A_207 : i32
          %or3A_383 = arith.constant false
          %or3A_384 = arith.ori %or3A_383, %ne3A_382 : i1
          %not3A_385 = arith.constant true
          %not3A_386 = arith.xori %eq3A_193, %not3A_385 : i1
          %and3A_387 = arith.andi %or3A_384, %not3A_386 : i1
          %convert_element_type3A_388 = arith.extui %and3A_387 : i1 to i32
          %cond3A_389 = arith.constant 0 : i32
          %cond3A_390 = arith.cmpi ne, %convert_element_type3A_388, %cond3A_389 : i32
          scf.if %cond3A_390 {
          } else {
          }
          %and3A_391 = arith.constant false
          %and3A_392 = arith.andi %and3A_387, %and3A_391 : i1
          %ne3A_393 = arith.cmpi ne, %add3A_197, %add3A_207 : i32
          %or3A_394 = arith.constant false
          %or3A_395 = arith.ori %or3A_394, %ne3A_393 : i1
          %or3A_396 = arith.constant false
          %or3A_397 = arith.ori %or3A_395, %or3A_396 : i1
          %not3A_398 = arith.constant true
          %not3A_399 = arith.xori %eq3A_193, %not3A_398 : i1
          %and3A_400 = arith.andi %or3A_397, %not3A_399 : i1
          %convert_element_type3A_401 = arith.extui %and3A_400 : i1 to i32
          %cond3A_402 = arith.constant 0 : i32
          %cond3A_403 = arith.cmpi ne, %convert_element_type3A_401, %cond3A_402 : i32
          scf.if %cond3A_403 {
            "tpu.trace_start"() <{level = 10 : i32, message = "ep_wait_out"}> : () -> ()
            %rem3A_446 = arith.constant 2 : i32
            %rem3A_447 = arith.remui %while3A_186, %rem3A_446 : i32
            %mul3A_448 = arith.constant 128 : i32
            %mul3A_449 = arith.muli %mul3A_448, %add3A_207 : i32
            %dma_wait3A = arith.constant 0 : i32
            %dma_wait3A_450 = arith.constant 0 : i32
            %dma_wait3A_451 = tpu.memref_slice %run_scoped3A_20[%rem3A_447, %dma_wait3A, %dma_wait3A_450] : memref<2x128x64xf32, #tpu.memory_space<vmem>> -> memref<1x128x64xf32, #tpu.memory_space<vmem>>
            %dma_wait3A_452 = tpu.memref_squeeze %dma_wait3A_451 : memref<1x128x64xf32, #tpu.memory_space<vmem>> -> memref<128x64xf32, #tpu.memory_space<vmem>>
            %dma_wait3A_453 = arith.constant 0 : i32
            %dma_wait3A_454 = tpu.memref_slice %arg6[%mul3A_449, %dma_wait3A_453] : memref<800000x64xf32, #tpu.memory_space<hbm>> -> memref<128x64xf32, #tpu.memory_space<hbm>>
            %dma_wait3A_455 = tpu.memref_slice %run_scoped3A_21[%rem3A_447] : memref<2x!tpu.dma_semaphore, #tpu.memory_space<semaphore_mem>> -> memref<1x!tpu.dma_semaphore, #tpu.memory_space<semaphore_mem>>
            %dma_wait3A_456 = tpu.memref_squeeze %dma_wait3A_455 : memref<1x!tpu.dma_semaphore, #tpu.memory_space<semaphore_mem>> -> memref<!tpu.dma_semaphore, #tpu.memory_space<semaphore_mem>>
            %dma_wait3A_457 = arith.constant 0 : i32
            %dma_wait3A_458 = tpu.memref_slice %arg6[%mul3A_449, %dma_wait3A_457] : memref<800000x64xf32, #tpu.memory_space<hbm>> -> memref<128x64xf32, #tpu.memory_space<hbm>>
            %dma_wait3A_459 = arith.constant 0 : i32
            %dma_wait3A_460 = arith.constant 0 : i32
            %dma_wait3A_461 = tpu.memref_slice %run_scoped3A_20[%rem3A_447, %dma_wait3A_459, %dma_wait3A_460] : memref<2x128x64xf32, #tpu.memory_space<vmem>> -> memref<1x128x64xf32, #tpu.memory_space<vmem>>
            %dma_wait3A_462 = tpu.memref_squeeze %dma_wait3A_461 : memref<1x128x64xf32, #tpu.memory_space<vmem>> -> memref<128x64xf32, #tpu.memory_space<vmem>>
            tpu.wait_dma2 semaphore(%dma_wait3A_456 : memref<!tpu.dma_semaphore, #tpu.memory_space<semaphore_mem>>) src(%dma_wait3A_462 : memref<128x64xf32, #tpu.memory_space<vmem>>) dst(%dma_wait3A_458 : memref<128x64xf32, #tpu.memory_space<hbm>>)
            "tpu.trace_stop"() : () -> ()
          } else {
          }
          %and3A_404 = arith.constant true
          %and3A_405 = arith.andi %and3A_400, %and3A_404 : i1
          %add3A_406 = arith.constant 1 : i32
          %add3A_407 = arith.addi %while3A_186, %add3A_406 : i32
          %select_n3A_408 = arith.select %and3A_405, %add3A_407, %while3A_186 : i32
          %ne3A_409 = arith.cmpi ne, %add3A_197, %add3A_207 : i32
          %or3A_410 = arith.constant false
          %or3A_411 = arith.ori %or3A_410, %ne3A_409 : i1
          %or3A_412 = arith.constant false
          %or3A_413 = arith.ori %or3A_411, %or3A_412 : i1
          %not3A_414 = arith.constant true
          %not3A_415 = arith.xori %eq3A_193, %not3A_414 : i1
          %and3A_416 = arith.andi %or3A_413, %not3A_415 : i1
          %convert_element_type3A_417 = arith.extui %and3A_416 : i1 to i32
          %cond3A_418 = arith.constant 0 : i32
          %cond3A_419 = arith.cmpi ne, %convert_element_type3A_417, %cond3A_418 : i32
          scf.if %cond3A_419 {
            "tpu.trace_start"() <{level = 10 : i32, message = "ep_wait_out"}> : () -> ()
            %rem3A_446 = arith.constant 2 : i32
            %rem3A_447 = arith.remui %while3A_188, %rem3A_446 : i32
            %mul3A_448 = arith.constant 128 : i32
            %mul3A_449 = arith.muli %mul3A_448, %add3A_207 : i32
            %dma_wait3A = arith.constant 0 : i32
            %dma_wait3A_450 = arith.constant 0 : i32
            %dma_wait3A_451 = tpu.memref_slice %run_scoped3A_22[%rem3A_447, %dma_wait3A, %dma_wait3A_450] : memref<2x128x128xf32, #tpu.memory_space<vmem>> -> memref<1x128x128xf32, #tpu.memory_space<vmem>>
            %dma_wait3A_452 = tpu.memref_squeeze %dma_wait3A_451 : memref<1x128x128xf32, #tpu.memory_space<vmem>> -> memref<128x128xf32, #tpu.memory_space<vmem>>
            %dma_wait3A_453 = arith.constant 0 : i32
            %dma_wait3A_454 = tpu.memref_slice %arg7[%mul3A_449, %dma_wait3A_453] : memref<800000x128xf32, #tpu.memory_space<hbm>> -> memref<128x128xf32, #tpu.memory_space<hbm>>
            %dma_wait3A_455 = tpu.memref_slice %run_scoped3A_23[%rem3A_447] : memref<2x!tpu.dma_semaphore, #tpu.memory_space<semaphore_mem>> -> memref<1x!tpu.dma_semaphore, #tpu.memory_space<semaphore_mem>>
            %dma_wait3A_456 = tpu.memref_squeeze %dma_wait3A_455 : memref<1x!tpu.dma_semaphore, #tpu.memory_space<semaphore_mem>> -> memref<!tpu.dma_semaphore, #tpu.memory_space<semaphore_mem>>
            %dma_wait3A_457 = arith.constant 0 : i32
            %dma_wait3A_458 = tpu.memref_slice %arg7[%mul3A_449, %dma_wait3A_457] : memref<800000x128xf32, #tpu.memory_space<hbm>> -> memref<128x128xf32, #tpu.memory_space<hbm>>
            %dma_wait3A_459 = arith.constant 0 : i32
            %dma_wait3A_460 = arith.constant 0 : i32
            %dma_wait3A_461 = tpu.memref_slice %run_scoped3A_22[%rem3A_447, %dma_wait3A_459, %dma_wait3A_460] : memref<2x128x128xf32, #tpu.memory_space<vmem>> -> memref<1x128x128xf32, #tpu.memory_space<vmem>>
            %dma_wait3A_462 = tpu.memref_squeeze %dma_wait3A_461 : memref<1x128x128xf32, #tpu.memory_space<vmem>> -> memref<128x128xf32, #tpu.memory_space<vmem>>
            tpu.wait_dma2 semaphore(%dma_wait3A_456 : memref<!tpu.dma_semaphore, #tpu.memory_space<semaphore_mem>>) src(%dma_wait3A_462 : memref<128x128xf32, #tpu.memory_space<vmem>>) dst(%dma_wait3A_458 : memref<128x128xf32, #tpu.memory_space<hbm>>)
            "tpu.trace_stop"() : () -> ()
          } else {
          }
          %and3A_420 = arith.constant true
          %and3A_421 = arith.andi %and3A_416, %and3A_420 : i1
          %add3A_422 = arith.constant 1 : i32
          %add3A_423 = arith.addi %while3A_188, %add3A_422 : i32
          %select_n3A_424 = arith.select %and3A_421, %add3A_423, %while3A_188 : i32
          %ne3A_425 = arith.cmpi ne, %add3A_197, %add3A_215 : i32
          %or3A_426 = arith.constant false
          %or3A_427 = arith.ori %or3A_426, %ne3A_425 : i1
          %or3A_428 = arith.ori %or3A_427, %eq3A_196 : i1
          %add3A_429 = arith.constant 1 : i32
          %add3A_430 = arith.addi %while3A_182, %add3A_429 : i32
          %select_n3A_431 = arith.select %or3A_428, %add3A_430, %while3A_182 : i32
          %ne3A_432 = arith.cmpi ne, %add3A_197, %add3A_215 : i32
          %or3A_433 = arith.constant false
          %or3A_434 = arith.ori %or3A_433, %ne3A_432 : i1
          %or3A_435 = arith.ori %or3A_434, %eq3A_196 : i1
          %add3A_436 = arith.constant 1 : i32
          %add3A_437 = arith.addi %while3A_184, %add3A_436 : i32
          %select_n3A_438 = arith.select %or3A_435, %add3A_437, %while3A_184 : i32
          %add3A_439 = arith.constant 1 : i32
          %add3A_440 = arith.addi %while3A_189, %add3A_439 : i32
          %select_n3A_441 = arith.constant true
          %select_n3A_442 = arith.select %select_n3A_441, %add3A_440, %while3A_189 : i32
          %eq3A_443 = arith.cmpi eq, %select_n3A_442, %select_n3A : i32
          %select_n3A_444 = arith.constant 0 : i32
          %select_n3A_445 = arith.select %eq3A_443, %select_n3A_444, %select_n3A_442 : i32
          scf.yield %select_n3A_237, %select_n3A_431, %select_n3A_256, %select_n3A_438, %select_n3A_356, %select_n3A_408, %select_n3A_370, %select_n3A_424, %select_n3A_445 : i32, i32, i32, i32, i32, i32, i32, i32, i32
        }
        %sub3A_123 = arith.constant 1 : i32
        %sub3A_124 = arith.subi %while3A_122#8, %sub3A_123 : i32
        %select_n3A_125 = arith.constant true
        %select_n3A_126 = arith.select %select_n3A_125, %sub3A_124, %while3A_122#8 : i32
        %eq3A_127 = arith.constant -1 : i32
        %eq3A_128 = arith.cmpi eq, %select_n3A_126, %eq3A_127 : i32
        %sub3A_129 = arith.constant 1 : i32
        %sub3A_130 = arith.subi %select_n3A, %sub3A_129 : i32
        %select_n3A_131 = arith.select %eq3A_128, %sub3A_130, %select_n3A_126 : i32
        %sub3A_132 = arith.constant 1 : i32
        %sub3A_133 = arith.subi %mul3A_16, %sub3A_132 : i32
        %mul3A_134 = arith.constant 1 : i32
        %mul3A_135 = arith.muli %mul3A_134, %select_n3A : i32
        %eq3A_136 = arith.constant 0 : i32
        %eq3A_137 = arith.cmpi eq, %sub3A_133, %eq3A_136 : i32
        %sub3A_138 = arith.constant 1 : i32
        %sub3A_139 = arith.subi %mul3A_135, %sub3A_138 : i32
        %eq3A_140 = arith.cmpi eq, %sub3A_133, %sub3A_139 : i32
        %add3A_141 = arith.addi %select_n3A_131, %select_n3A_14 : i32
        %sub3A_142 = arith.constant 1 : i32
        %sub3A_143 = arith.subi %select_n3A_131, %sub3A_142 : i32
        %select_n3A_144 = arith.constant true
        %select_n3A_145 = arith.select %select_n3A_144, %sub3A_143, %select_n3A_131 : i32
        %eq3A_146 = arith.constant -1 : i32
        %eq3A_147 = arith.cmpi eq, %select_n3A_145, %eq3A_146 : i32
        %sub3A_148 = arith.constant 1 : i32
        %sub3A_149 = arith.subi %select_n3A, %sub3A_148 : i32
        %select_n3A_150 = arith.select %eq3A_147, %sub3A_149, %select_n3A_145 : i32
        %add3A_151 = arith.addi %select_n3A_150, %select_n3A_14 : i32
        %add3A_152 = arith.constant 1 : i32
        %add3A_153 = arith.addi %select_n3A_131, %add3A_152 : i32
        %select_n3A_154 = arith.constant true
        %select_n3A_155 = arith.select %select_n3A_154, %add3A_153, %select_n3A_131 : i32
        %eq3A_156 = arith.cmpi eq, %select_n3A_155, %select_n3A : i32
        %select_n3A_157 = arith.constant 0 : i32
        %select_n3A_158 = arith.select %eq3A_156, %select_n3A_157, %select_n3A_155 : i32
        %add3A_159 = arith.addi %select_n3A_158, %select_n3A_14 : i32
        %add3A_160 = arith.constant 1 : i32
        %add3A_161 = arith.addi %select_n3A_158, %add3A_160 : i32
        %select_n3A_162 = arith.constant true
        %select_n3A_163 = arith.select %select_n3A_162, %add3A_161, %select_n3A_158 : i32
        %eq3A_164 = arith.cmpi eq, %select_n3A_163, %select_n3A : i32
        %select_n3A_165 = arith.constant 0 : i32
        %select_n3A_166 = arith.select %eq3A_164, %select_n3A_165, %select_n3A_163 : i32
        %add3A_167 = arith.addi %select_n3A_166, %select_n3A_14 : i32
        %convert_element_type3A_168 = arith.extui %eq3A_140 : i1 to i32
        %cond3A_169 = arith.constant 0 : i32
        %cond3A_170 = arith.cmpi ne, %convert_element_type3A_168, %cond3A_169 : i32
        scf.if %cond3A_170 {
        } else {
        }
        %convert_element_type3A_171 = arith.extui %eq3A_140 : i1 to i32
        %cond3A_172 = arith.constant 0 : i32
        %cond3A_173 = arith.cmpi ne, %convert_element_type3A_171, %cond3A_172 : i32
        scf.if %cond3A_173 {
        } else {
        }
        %convert_element_type3A_174 = arith.extui %eq3A_140 : i1 to i32
        %cond3A_175 = arith.constant 0 : i32
        %cond3A_176 = arith.cmpi ne, %convert_element_type3A_174, %cond3A_175 : i32
        scf.if %cond3A_176 {
          "tpu.trace_start"() <{level = 10 : i32, message = "ep_finalize"}> : () -> ()
          %rem3A_180 = arith.constant 2 : i32
          %rem3A_181 = arith.remui %while3A_122#5, %rem3A_180 : i32
          %mul3A_182 = arith.constant 128 : i32
          %mul3A_183 = arith.muli %mul3A_182, %add3A_141 : i32
          %dma_wait3A = arith.constant 0 : i32
          %dma_wait3A_184 = arith.constant 0 : i32
          %dma_wait3A_185 = tpu.memref_slice %run_scoped3A_20[%rem3A_181, %dma_wait3A, %dma_wait3A_184] : memref<2x128x64xf32, #tpu.memory_space<vmem>> -> memref<1x128x64xf32, #tpu.memory_space<vmem>>
          %dma_wait3A_186 = tpu.memref_squeeze %dma_wait3A_185 : memref<1x128x64xf32, #tpu.memory_space<vmem>> -> memref<128x64xf32, #tpu.memory_space<vmem>>
          %dma_wait3A_187 = arith.constant 0 : i32
          %dma_wait3A_188 = tpu.memref_slice %arg6[%mul3A_183, %dma_wait3A_187] : memref<800000x64xf32, #tpu.memory_space<hbm>> -> memref<128x64xf32, #tpu.memory_space<hbm>>
          %dma_wait3A_189 = tpu.memref_slice %run_scoped3A_21[%rem3A_181] : memref<2x!tpu.dma_semaphore, #tpu.memory_space<semaphore_mem>> -> memref<1x!tpu.dma_semaphore, #tpu.memory_space<semaphore_mem>>
          %dma_wait3A_190 = tpu.memref_squeeze %dma_wait3A_189 : memref<1x!tpu.dma_semaphore, #tpu.memory_space<semaphore_mem>> -> memref<!tpu.dma_semaphore, #tpu.memory_space<semaphore_mem>>
          %dma_wait3A_191 = arith.constant 0 : i32
          %dma_wait3A_192 = tpu.memref_slice %arg6[%mul3A_183, %dma_wait3A_191] : memref<800000x64xf32, #tpu.memory_space<hbm>> -> memref<128x64xf32, #tpu.memory_space<hbm>>
          %dma_wait3A_193 = arith.constant 0 : i32
          %dma_wait3A_194 = arith.constant 0 : i32
          %dma_wait3A_195 = tpu.memref_slice %run_scoped3A_20[%rem3A_181, %dma_wait3A_193, %dma_wait3A_194] : memref<2x128x64xf32, #tpu.memory_space<vmem>> -> memref<1x128x64xf32, #tpu.memory_space<vmem>>
          %dma_wait3A_196 = tpu.memref_squeeze %dma_wait3A_195 : memref<1x128x64xf32, #tpu.memory_space<vmem>> -> memref<128x64xf32, #tpu.memory_space<vmem>>
          tpu.wait_dma2 semaphore(%dma_wait3A_190 : memref<!tpu.dma_semaphore, #tpu.memory_space<semaphore_mem>>) src(%dma_wait3A_196 : memref<128x64xf32, #tpu.memory_space<vmem>>) dst(%dma_wait3A_192 : memref<128x64xf32, #tpu.memory_space<hbm>>)
          "tpu.trace_stop"() : () -> ()
        } else {
        }
        %convert_element_type3A_177 = arith.extui %eq3A_140 : i1 to i32
        %cond3A_178 = arith.constant 0 : i32
        %cond3A_179 = arith.cmpi ne, %convert_element_type3A_177, %cond3A_178 : i32
        scf.if %cond3A_179 {
          "tpu.trace_start"() <{level = 10 : i32, message = "ep_finalize"}> : () -> ()
          %rem3A_180 = arith.constant 2 : i32
          %rem3A_181 = arith.remui %while3A_122#7, %rem3A_180 : i32
          %mul3A_182 = arith.constant 128 : i32
          %mul3A_183 = arith.muli %mul3A_182, %add3A_141 : i32
          %dma_wait3A = arith.constant 0 : i32
          %dma_wait3A_184 = arith.constant 0 : i32
          %dma_wait3A_185 = tpu.memref_slice %run_scoped3A_22[%rem3A_181, %dma_wait3A, %dma_wait3A_184] : memref<2x128x128xf32, #tpu.memory_space<vmem>> -> memref<1x128x128xf32, #tpu.memory_space<vmem>>
          %dma_wait3A_186 = tpu.memref_squeeze %dma_wait3A_185 : memref<1x128x128xf32, #tpu.memory_space<vmem>> -> memref<128x128xf32, #tpu.memory_space<vmem>>
          %dma_wait3A_187 = arith.constant 0 : i32
          %dma_wait3A_188 = tpu.memref_slice %arg7[%mul3A_183, %dma_wait3A_187] : memref<800000x128xf32, #tpu.memory_space<hbm>> -> memref<128x128xf32, #tpu.memory_space<hbm>>
          %dma_wait3A_189 = tpu.memref_slice %run_scoped3A_23[%rem3A_181] : memref<2x!tpu.dma_semaphore, #tpu.memory_space<semaphore_mem>> -> memref<1x!tpu.dma_semaphore, #tpu.memory_space<semaphore_mem>>
          %dma_wait3A_190 = tpu.memref_squeeze %dma_wait3A_189 : memref<1x!tpu.dma_semaphore, #tpu.memory_space<semaphore_mem>> -> memref<!tpu.dma_semaphore, #tpu.memory_space<semaphore_mem>>
          %dma_wait3A_191 = arith.constant 0 : i32
          %dma_wait3A_192 = tpu.memref_slice %arg7[%mul3A_183, %dma_wait3A_191] : memref<800000x128xf32, #tpu.memory_space<hbm>> -> memref<128x128xf32, #tpu.memory_space<hbm>>
          %dma_wait3A_193 = arith.constant 0 : i32
          %dma_wait3A_194 = arith.constant 0 : i32
          %dma_wait3A_195 = tpu.memref_slice %run_scoped3A_22[%rem3A_181, %dma_wait3A_193, %dma_wait3A_194] : memref<2x128x128xf32, #tpu.memory_space<vmem>> -> memref<1x128x128xf32, #tpu.memory_space<vmem>>
          %dma_wait3A_196 = tpu.memref_squeeze %dma_wait3A_195 : memref<1x128x128xf32, #tpu.memory_space<vmem>> -> memref<128x128xf32, #tpu.memory_space<vmem>>
          tpu.wait_dma2 semaphore(%dma_wait3A_190 : memref<!tpu.dma_semaphore, #tpu.memory_space<semaphore_mem>>) src(%dma_wait3A_196 : memref<128x128xf32, #tpu.memory_space<vmem>>) dst(%dma_wait3A_192 : memref<128x128xf32, #tpu.memory_space<hbm>>)
          "tpu.trace_stop"() : () -> ()
        } else {
        }
      } else {
      }
      tpu.yield
    }) : () -> ()
    return
  }
}

</mosaic_0001>

<sc_bundles>
// kernel: _sc_gather.3.cloned.1.call-start
scs
__scs_entry_jumppad:
0x0: {  	(pc) =	sbr.rel $0x88, $3  }
0x1: {  	(tag) =	ssettag $0x0;
	lr =	simm.s32 $0x1  }
0x2: {  	[smem:$0x3F9D] =	sst lr;
	_ =	strace $0xD0000000  }
0x3: {  	_ = 	snop  }
0x4: {  	_ = 	snop  }
0x5: {  	_ = 	snop  }
0x6: {  	_ = 	snop  }
0x7: {  	_ = 	snop  }
__scs_overlays_trampoline_lowered:
0x8: {  	[smem:$0x3FAC] =	sst s0  }
0x9: {  	[smem:$0x3FAD] =	sst s1  }
0xa: {  	[smem:$0x3FAE] =	sst s2  }
0xb: {  	[smem:$0x3FAF] =	sst s3  }
0xc: {  	[smem:$0x3FB0] =	sst s4  }
0xd: {  	[smem:$0x3FB1] =	sst s5  }
0xe: {  	[smem:$0x3FB2] =	sst s6  }
0xf: {  	[smem:$0x3FB3] =	sst s7  }
0x10: {  	[smem:$0x3FB4] =	sst s8  }
0x11: {  	[smem:$0x3FB5] =	sst s9;
	s0 =	simm.s32 @!p0 $0x0  }
0x12: {  	s1 =	sld [smem:$0x3F9B];
	s0 =	simm.s32 @p0 $0x1  }
0x13: {  	[smem:$0x3FB6] =	sst s0;
	s0 =	simm.s32 @!p1 $0x0  }
0x14: {  	s2 =	sld [smem:$0x3F9A];
	s0 =	simm.s32 @p1 $0x1  }
0x15: {  	[smem:$0x3FB7] =	sst s0;
	s0 =	simm.s32 @!p2 $0x0  }
0x16: {  	s3 =	sld [smem:$0x3FDB];
	s0 =	simm.s32 @p2 $0x1  }
0x17: {  	s4 =	simm.s32 $0x1BF5;
	[smem:$0x3FB9] =	sst s0  }
0x18: {  	s0 =	sld [smem:$0x3F9C];
	_ =	swait.ge [sflag:s4], $0x0  }
0x19: {  	s7 =	sld [smem:$0x3F9D]  }
0x1a: {  	s8 =	sadd.s32 $0xFFFFE003, lr  }
0x1b: {  	s9 =	sadd.s32 $0xFFFFFEF7, lr;
	s5 =	simm.s32 $0xFFFFFFFF;
	p2 =	slt.u32 s8, $0xFFFFF086  }
0x1c: {  	p1 =	slt.u32 s9, $0xF7A;
	s5 =	simm.s32 @!p2 $0x0  }
0x1d: {  	s5 =	simm.s32 @p1 $0x1;
	p0 =	seq.s32 s7, s2  }
0x1e: {  	s7 =	smul.u32 @!p0 $0xF7A, s2;
	p2 =	seq.s32 @!p0 s5, $0x0  }
0x1f: {  	s9 =	smul.u32 $0xF7A, s1;
	s8 =	simm.s32 @!p0 $0x1BF5;
	p2 =	por !p2, p0  }
0x20: {  	[sflag:s8] =	ssyncset.s32 @!p0 $0xFFFFF086;
	s6 =	sadd.s32 @!p0 s3, s7;
	s7 =	simm.s32 @!p0 $0x108  }
0x21: {  	s3 =	sadd.s32 s3, s9;
	s6 =	sadd.s32 @!p0 $0x88, s6;
	s7 =	simm.s32 @p2 $0x1082  }
0x22: {  	[simem:s7], [sflag:s8] =	dma.local @!p0 [hbm:s6], $0xF7A  }
0x23: {  	s9 =	sor.u32 $0xD0000000, s2;
	s6 =	simm.s32 $0x108;
	_ =	swait.ge @!p0 [sflag:s8], $0x0  }
0x24: {  	s3 =	sadd.s32 $0x88, s3;
	s6 =	simm.s32 @!p1 $0x1082;
	[sflag:s4] =	ssyncset.s32 $0xFFFFF086  }
0x25: {  	[simem:s6], [sflag:s4] =	dma.local [hbm:s3], $0xF7A  }
0x26: {  	[smem:$0x3F9D] =	sst s1;
	(tag) =	ssettag s2;
	_ =	strace s9  }
0x27: {  	s1 =	sld [smem:$0x3FAD]  }
0x28: {  	s2 =	sld [smem:$0x3FAE]  }
0x29: {  	s4 =	sld [smem:$0x3FB0]  }
0x2a: {  	p0 =	seq.s32 s5, $0x0;
	s5 =	sld [smem:$0x3FB1]  }
0x2b: {  	s6 =	sld [smem:$0x3FB2]  }
0x2c: {  	s7 =	sld [smem:$0x3FB3]  }
0x2d: {  	s3 =	simm.s32 $0x108;
	s8 =	sld [smem:$0x3FB4]  }
0x2e: {  	s3 =	simm.s32 @!p0 $0x1082;
	s9 =	sld [smem:$0x3FB5]  }
0x2f: {  	lr =	sadd.s32 s0, s3;
	s0 =	sld [smem:$0x3FAC]  }
0x30: {  	s3 =	sld [smem:$0x3FAF]  }
0x31: {  	[smem:$0x3FB8] =	sst s10  }
0x32: {  	s10 =	sld [smem:$0x3FB6];
	_ =	sdelay $0x3  }
0x33: {  	p0 =	seq.s32 s10, $0x1;
	s10 =	sld [smem:$0x3FB8];
	_ =	sdelay $0x3  }
0x34: {  	[smem:$0x3FB8] =	sst s10  }
0x35: {  	s10 =	sld [smem:$0x3FB7];
	_ =	sdelay $0x3  }
0x36: {  	p1 =	seq.s32 s10, $0x1;
	s10 =	sld [smem:$0x3FB8];
	_ =	sdelay $0x3  }
0x37: {  	[smem:$0x3FB8] =	sst s10  }
0x38: {  	s10 =	sld [smem:$0x3FB9]  }
0x39: {  	_ = 	snop;
	(pc) =	sbr.ind lr, $3  }
0x3a: {  	_ = 	snop  }
0x3b: {  	_ = 	snop  }
0x3c: {  	p2 =	seq.s32 s10, $0x1;
	s10 =	sld [smem:$0x3FB8]  }
0x3d: {  	_ =	shalt  }
0x3e: {  	_ =	shalt  }
0x3f: {  	_ =	shalt  }
0x40: {  	_ =	shalt  }
0x41: {  	_ =	shalt  }
0x42: {  	_ =	shalt  }
0x43: {  	_ =	shalt  }
0x44: {  	_ =	shalt  }
0x45: {  	_ =	shalt  }
0x46: {  	_ =	shalt  }
0x47: {  	_ =	shalt  }
0x48: {  	_ =	shalt  }
0x49: {  	_ =	shalt  }
0x4a: {  	_ =	shalt  }
0x4b: {  	_ =	shalt  }
0x4c: {  	_ =	shalt  }
0x4d: {  	_ =	shalt  }
0x4e: {  	_ =	shalt  }
0x4f: {  	_ =	shalt  }
0x50: {  	_ =	shalt  }
0x51: {  	_ =	shalt  }
0x52: {  	_ =	shalt  }
0x53: {  	_ =	shalt  }
0x54: {  	_ =	shalt  }
0x55: {  	_ =	shalt  }
0x56: {  	_ =	shalt  }
0x57: {  	_ =	shalt  }
0x58: {  	_ =	shalt  }
0x59: {  	_ =	shalt  }
0x5a: {  	_ =	shalt  }
0x5b: {  	_ =	shalt  }
0x5c: {  	_ =	shalt  }
0x5d: {  	_ =	shalt  }
0x5e: {  	_ =	shalt  }
0x5f: {  	_ =	shalt  }
0x60: {  	_ =	shalt  }
0x61: {  	_ =	shalt  }
0x62: {  	_ =	shalt  }
0x63: {  	_ =	shalt  }
0x64: {  	_ =	shalt  }
0x65: {  	_ =	shalt  }
0x66: {  	_ =	shalt  }
0x67: {  	_ =	shalt  }
0x68: {  	_ =	shalt  }
0x69: {  	_ =	shalt  }
0x6a: {  	_ =	shalt  }
0x6b: {  	_ =	shalt  }
0x6c: {  	_ =	shalt  }
0x6d: {  	_ =	shalt  }
0x6e: {  	_ =	shalt  }
0x6f: {  	_ =	shalt  }
0x70: {  	_ =	shalt  }
0x71: {  	_ =	shalt  }
0x72: {  	_ =	shalt  }
0x73: {  	_ =	shalt  }
0x74: {  	_ =	shalt  }
0x75: {  	_ =	shalt  }
0x76: {  	_ =	shalt  }
0x77: {  	_ =	shalt  }
0x78: {  	_ =	shalt  }
0x79: {  	_ =	shalt  }
0x7a: {  	_ =	shalt  }
0x7b: {  	_ =	shalt  }
0x7c: {  	_ =	shalt  }
0x7d: {  	_ =	shalt  }
0x7e: {  	_ =	shalt  }
0x7f: {  	_ =	shalt  }
0x80: {  	_ =	shalt  }
0x81: {  	_ =	shalt  }
0x82: {  	_ =	shalt  }
0x83: {  	_ =	shalt  }
0x84: {  	_ =	shalt  }
0x85: {  	_ =	shalt  }
0x86: {  	_ =	shalt  }
0x87: {  	_ =	shalt  }
.Lfunc_end0:
.L_simem_size_0:
called_computation.1_lowered:
.L_overlay_start_0:
0x88: {  	s2 =	sld [smem:$0x3FD9]  }
0x89: {  	s3 =	sld [smem:$0x3FFE];
	_ =	sdelay $0x1  }
0x8a: {  	s1 =	srdreg.scid  }
0x8b: {  	s0 =	sand.u32 $0x1, s1  }
0x8c: {  	s14 =	sshll.u32 s0, $0xA;
	s2 =	sadd.s32 s3, s2  }
0x8d: {  	s2 =	sadd.s32 s2, s14  }
0x8e: {  	[smem:$0x3FC4] =	sst s2  }
0x8f: {  	_ = 	snop  }
0x90: {  	s2 =	sld [smem:$0x3FD0];
	_ =	sdelay $0x2  }
0x91: {  	s4 =	simm.s32 $0xA;
	s5 =	simm.s32 $0x10;
	s15 =	sld [smem:$0x3FC8]  }
0x92: {  	[smem:s5], [sflag:s4] =	dma.local [hbm:s2], $0x1  }
0x93: {  	_ =	swait.eq [sflag:s4], $0x1  }
0x94: {  	[sflag:s4] =	ssyncset.done $0x0  }
0x95: {  	s16 =	sld [smem:$0x10];
	[sflag:s4] =	ssyncadd.s32 $0xFFFFFFFF  }
0x96: {  	s17 =	sld [smem:$0x11];
	(tm) =	ssettm $0x1  }
0x97: {  	s18 =	sld [smem:$0x3FFB];
	_ =	sdelay $0x3  }
0x98: {  	_ =	strace s18  }
0x99: {  	s5 =	sld [smem:$0x3FFC];
	_ =	sdelay $0x3  }
0x9a: {  	_ =	strace s5  }
0x9b: {  	s5 =	sld [smem:$0x3FFD];
	_ =	sdelay $0x3  }
0x9c: {  	_ =	strace s5  }
0x9d: {  	_ =	strace $0x8FFFFFFF  }
0x9e: {  	s19 =	sld [smem:$0x3FDB];
	_ =	sdelay $0x1  }
0x9f: {  	s6 =	simm.s32 $_scs_section_size  }
0xa0: {  	s7 =	simm.s32 $_size__tile_overlayer_lowered;
	s8 =	simm.s32 $_tile_overlayer_lowered  }
0xa1: {  	s22 =	simm.s32 $0x1BFF;
	s21 =	sshll.u32 s8, $0x1;
	s5 =	sadd.s32 s6, s19  }
0xa2: {  	s9 =	simm.s32 $0x0;
	s20 =	sshll.u32 s7, $0x1;
	s7 =	sadd.s32 s21, s5  }
0xa3: {  	[timem:s9], [sflag:s22] =	dma.local [hbm:s7], s20  }
0xa4: {  	_ =	swait.ge [sflag:s22], s20  }
0xa5: {  	s6 =	ssub.s32 $0x0, s20;
	[sflag:s22] =	ssyncset.done $0x0  }
0xa6: {  	[sflag:s22] =	ssyncadd.s32 s6;
	_ =	sdelay $0x1  }
0xa7: {  	s23 =	simm.s32 $0x1B8B  }
0xa8: {  	_ =	swait.ge [sflag:s23], $0x1  }
0xa9: {  	[sflag:s23] =	ssyncset.done $0x0  }
0xaa: {  	s25 =	simm.s32 $0x1B8E;
	s24 =	sld [smem:$0x3FFE];
	[sflag:s23] =	ssyncadd.s32 $0xFFFFFFFF  }
0xab: {  	s26 =	simm.s32 $execute0_lowered;
	[smem:$0x3FD2] =	sst s25  }
0xac: {  	s7 =	sshll.u32 s26, $0x1;
	_ =	strace $0x80000046;
	[dreg:$0x1] =	wrdreg $0xFFFFFFFF  }
0xad: {  	s28 =	simm.s32 $_size_execute0_lowered;
	s5 =	sadd.s32 s5, s7;
	[dreg:$0x0] =	wrdreg $0x0  }
0xae: {  	s7 =	sshll.u32 s28, $0x1;
	[dreg:$0x2] =	wrdreg s5  }
0xaf: {  	[dreg:$0x3] =	wrdreg s7  }
0xb0: {  	[dreg:$0x4] =	wrdreg $0xC0  }
0xb1: {  	_ =	task [dreg:s9], $0x5FFFF  }
0xb2: {  	[dreg:$0x1] =	wrdreg $0xFFFFFFFF  }
0xb3: {  	[dreg:$0x0] =	wrdreg $0x60  }
0xb4: {  	[dreg:$0x2] =	wrdreg s24  }
0xb5: {  	[dreg:$0x3] =	wrdreg s15  }
0xb6: {  	[dreg:$0x4] =	wrdreg s16  }
0xb7: {  	[dreg:$0x5] =	wrdreg s17  }
0xb8: {  	[dreg:$0x6] =	wrdreg $0x9  }
0xb9: {  	_ =	task.clear_ibuf [dreg:s9], $0x7FFFF;
	_ =	strace $0x90000046  }
0xba: {  	s29 =	simm.s32 $0x9;
	_ =	strace $0x80000054  }
0xbb: {  	_ =	swait.ge [sflag:s29], $0x1  }
0xbc: {  	[sflag:s29] =	ssyncadd.s32 $0xFFFFFFFF  }
0xbd: {  	_ =	strace $0x90000054  }
0xbe: {  	_ =	sfence  }
0xbf: {  	s30 =	sld [smem:$0x0];
	_ =	sdelay $0x2  }
0xc0: {  	s31 =	sshll.u32 s1, $0xD;
	s1 =	sshrl.u32 s1, $0x2  }
0xc1: {  	s3 =	sand.u32 $0x4000, s31;
	s1 =	sadd.s32 s1, s30  }
0xc2: {  	s0 =	sor.u32 s3, s0;
	s1 =	sshll.u32 s1, $0x11  }
0xc3: {  	s0 =	sor.u32 s1, s0  }
0xc4: {  	s0 =	sadd.s32 $0x8F2B, s0  }
0xc5: {  	[sflag:s0] =	ssyncadd.remote.s32 $0x1  }
0xc6: {  	_ =	sfence.sel $0xFFFF  }
0xc7: {  	[dreg:$0x0] =	wrdreg $0xFFFFFFFF;
	(pc) =	sbr.abs _section_cstart, $3  }
0xc8: {  	[dreg:$0x1] =	wrdreg $0xFFFFFFFF  }
0xc9: {  	_ =	task.clear_ibuf [dreg:s9], $0x2FFFF;
	_ =	strace $0x9FFFFFFF  }
0xca: {  	(tm) =	ssettm $0x7FFFFFFF  }
0xcb: {  	_ =	shalt  }
tec
execute0_lowered:
.L_overlay_start_1:
0x0: {  	(tag) =	ssettag $0x1  }
0x1: {  	s1 =	rddreg [dreg:$0x0];
	s2 =	srdreg.scid  }
0x2: {  	s0 =	rddreg [dreg:$0x1];
	s2 =	sand.u32 $0x1, s2  }
0x3: {  	s3 =	rddreg [dreg:$0x2];
	s7 =	stileid.u32;
	s6 =	sshll.u32 s2, $0x4  }
0x4: {  	s4 =	rddreg [dreg:$0x3];
	s7 =	sor.u32 s7, s6  }
0x5: {  	s5 =	simm.s32 $0x0;
	s10 =	simm.s32 $0xC4;
	s8 =	smul.u32 $0xC3, s7  }
0x6: {  	s16 =	simm.s32 $0x80;
	s17 =	simm.s32 $0x9;
	s9 =	smul.u32 $0xC4, s7  }
0x7: {  	[smem:$0x7FF] =	sst s5;
	p0 =	slt.u32 s7, $0xA;
	s7 =	sadd.s32 $0xA, s8  }
0x8: {  	s18 =	simm.s32 $0x0;
	_ =	strace $0x80000047;
	s7 =	smov.u32 @p0 s9  }
0x9: {  	s2 =	ssub.s32 $0x2, s2;
	s6 =	sadd.s32 $0x31200, s1;
	s11 =	sshll.u32 s7, $0x4  }
0xa: {  	s30 =	sshrl.u32 s2, $0x1;
	s8 =	sadd.s32 $0x200, s1;
	s31 =	sand.u32 $0x1FFFFFF0, s11  }
0xb: {  	s10 =	simm.s32 @!p0 $0xC3;
	s9 =	sadd.s32 $0x18A00, s1;
	s11 =	sadd.s32 s8, s31  }
0xc: {  	s1 =	ssub.s32 s2, s30;
	s2 =	sadd.s32 s9, s31;
	[dreg:$0x5] =	wrdreg s11  }
0xd: {  	s13 =	sadd.s32 $0xFFFFFFFF, s10;
	s14 =	smax.u32 s1, $0x1;
	[dreg:$0x6] =	wrdreg s2  }
.LBB2_1:
0xe: {  	_ =	strace $0x80000048;
	s2 =	simm.s32 $0x100;
	s29 =	simm.s32 $0x1  }
0xf: {  	s30 =	simm.s32 $0x0;
	s19 =	simm.s32 $0x0;
	s20 =	simm.s32 $0x0  }
0x10: {  	s26 =	simm.s32 $0x0;
	s21 =	simm.s32 $0x0;
	s1 =	rddreg [dreg:$0x5]  }
0x11: {  	[tilespmem:s5], [sflag:$0x1] =	stream.linear.gather [hbm4b:s1+s5], $0x80, $0x200038;
	[tilespmem:$0xC200] =	vst v63  }
0x12: {  	s22 =	simm.s32 $0x0;
	s23 =	simm.s32 $0x1;
	s31 =	rddreg [dreg:$0x6]  }
0x13: {  	[tilespmem:s2], [sflag:$0x3] =	stream.linear.gather [hbm4b:s31+s5], $0x80, $0x200038;
	[tilespmem:$0xC200] =	vst v63  }
0x14: {  	s24 =	simm.s32 $0x0;
	s25 =	simm.s32 $0x0;
	_ =	strace $0x90000048  }
.LBB2_2:
0x15: {  	s28 =	sadd.s32 $0x1, s30  }
0x16: {  	p0 =	seq.s32 s28, s10  }
0x17: {  	s28 =	simm.s32 @p0 $0x0;
	p0 =	sge.u32 s25, s13  }
0x18: {  	p1 =	seq.s32 @!p0 s30, s28  }
0x19: {  	p2 =	por p1, p0  }
0x1a: {  	s1 =	sadd.s32 @!p2 s7, s28  }
0x1b: {  	s2 =	sand.u32 @!p2 $0x1, s29;
	s1 =	sshll.u32 @!p2 s1, $0x4  }
0x1c: {  	_ =	strace @!p2 $0x80000049;
	s31 =	simm.s32 @!p2 $0x0;
	s1 =	sand.u32 @!p2 $0x1FFFFFF0, s1  }
0x1d: {  	s11 =	sshll.u32 @!p2 s2, $0x7;
	s2 =	sadd.s32 @!p2 $0x1, s2;
	s15 =	sadd.s32 @!p2 s8, s1  }
0x1e: {  	[tilespmem:s11], [sflag:s2] =	stream.linear.gather @!p2 [hbm4b:s15+s31], $0x80, $0x200038;
	[tilespmem:$0xC200] =	vst v63  }
0x1f: {  	s2 =	sand.u32 @!p2 $0x1, s23  }
0x20: {  	s1 =	sadd.s32 @!p2 s9, s1;
	_ =	strace @!p2 $0x90000049;
	s11 =	sshll.u32 @!p2 s2, $0x7  }
0x21: {  	s2 =	sadd.s32 @!p2 $0x3, s2;
	_ =	strace @!p2 $0x8000004A;
	s11 =	sor.u32 @!p2 $0x100, s11  }
0x22: {  	[tilespmem:s11], [sflag:s2] =	stream.linear.gather @!p2 [hbm4b:s1+s31], $0x80, $0x200038;
	[tilespmem:$0xC200] =	vst v63  }
0x23: {  	s11 =	sand.u32 $0x1, s24;
	_ =	strace @!p2 $0x9000004A  }
0x24: {  	s1 =	sadd.s32 $0x1, s11;
	_ =	strace $0x8000004B  }
0x25: {  	_ =	swait.ge [sflag:s1], $0x80  }
0x26: {  	[sflag:s1] =	ssyncset.done $0x0  }
0x27: {  	[sflag:s1] =	ssyncadd.s32 $0xFFFFFF80  }
0x28: {  	s12 =	sand.u32 $0x1, s22;
	_ =	strace $0x9000004B  }
0x29: {  	s1 =	sadd.s32 $0x3, s12;
	_ =	strace $0x8000004C  }
0x2a: {  	_ =	swait.ge [sflag:s1], $0x80  }
0x2b: {  	p3 =	seq.s32 s13, s25;
	[sflag:s1] =	ssyncset.done $0x0  }
0x2c: {  	p4 =	seq.s32 @!p3 s30, s28;
	[sflag:s1] =	ssyncadd.s32 $0xFFFFFF80;
	s1 =	sand.u32 $0x1, s21  }
0x2d: {  	s31 =	sshll.u32 s24, $0x7;
	_ =	strace $0x9000004C;
	s15 =	sshll.u32 s1, $0xD  }
0x2e: {  	s11 =	sand.u32 $0x80, s31;
	_ =	strace $0x8000004D;
	s15 =	sor.u32 $0x200, s15  }
0x2f: {  	[tilespmem:s15], [sflag:$0x9] =	stream.indirect.gather [hbm4b:s6+s16], $0x40, s11, s16, $0x2000b8;
	[tilespmem:$0xC200] =	vst v63  }
0x30: {  	s2 =	sand.u32 $0x1, s20;
	s12 =	sshll.u32 s22, $0x7;
	_ =	swait.ge [sflag:s17], $0x2000  }
0x31: {  	s31 =	sshll.u32 s2, $0xE;
	s12 =	sand.u32 $0x80, s12;
	[sflag:s17] =	ssyncset.done $0x0  }
0x32: {  	s12 =	sor.u32 $0x100, s12;
	s11 =	sadd.s32 $0x4200, s31;
	[sflag:s17] =	ssyncadd.s32 $0xFFFFE000  }
0x33: {  	[tilespmem:s11], [sflag:$0x9] =	stream.indirect.gather [hbm4b:s0+s16], $0x80, s12, s16, $0x2000b8;
	[tilespmem:$0xC200] =	vst v63  }
0x34: {  	p3 =	por p3, !p4;
	_ =	swait.ge [sflag:s17], $0x4000  }
0x35: {  	s12 =	sadd.s32 @p3 s7, s30;
	[sflag:s17] =	ssyncset.done $0x0  }
0x36: {  	s30 =	sshll.u32 @p3 s12, $0xA;
	[sflag:s17] =	ssyncadd.s32 $0xFFFFC000  }
0x37: {  	s30 =	sand.u32 @p3 $0x1FFFFC00, s30;
	_ =	strace $0x9000004D  }
0x38: {  	s1 =	sadd.s32 @p3 $0x5, s1;
	s30 =	sadd.s32 @p3 s3, s30;
	_ =	strace @p3 $0x8000004E  }
0x39: {  	[hbm4b:s30+s5] =	stream.linear.scatter @p3 [tilespmem:s15], [sflag:s1], $0x2000, $0x200038;
	[tilespmem:$0xC200] =	vst v63  }
0x3a: {  	p1 =	por !p1, p0;
	s2 =	sadd.s32 @p3 $0x7, s2;
	s1 =	sshll.u32 @p3 s12, $0xB  }
0x3b: {  	s21 =	sadd.s32 @p3 $0x1, s21;
	_ =	strace @p3 $0x9000004E;
	s1 =	sand.u32 @p3 $0x1FFFF800, s1  }
0x3c: {  	s31 =	simm.s32 $0x0;
	_ =	strace @p3 $0x8000004F;
	s1 =	sadd.s32 @p3 s4, s1  }
0x3d: {  	[hbm4b:s1+s5] =	stream.linear.scatter @p3 [tilespmem:s11], [sflag:s2], $0x4000, $0x200038;
	[tilespmem:$0xC200] =	vst v63  }
0x3e: {  	s31 =	simm.s32 @p3 $0x1;
	_ =	strace @p3 $0x9000004F;
	p3 =	seq.s32 s25, $0x0  }
0x3f: {  	s20 =	sadd.s32 s20, s31;
	s24 =	sadd.s32 s24, s31;
	s1 =	sand.u32 @!p3 $0x1, s26  }
0x40: {  	s22 =	sadd.s32 s22, s31;
	_ =	strace @!p3 $0x80000050;
	s1 =	sadd.s32 @!p3 $0x5, s1  }
0x41: {  	s12 =	smov.u32 s29;
	s2 =	sadd.s32 @!p2 $0x1, s29;
	_ =	swait.ge @!p3 [sflag:s1], $0x2000  }
0x42: {  	s12 =	smov.u32 @p1 s2;
	s25 =	sadd.s32 $0x1, s25;
	[sflag:s1] =	ssyncset.done @!p3 $0x0  }
0x43: {  	s11 =	sand.u32 @!p3 $0x1, s19;
	[sflag:s1] =	ssyncadd.s32 @!p3 $0xFFFFE000;
	s1 =	simm.s32 $0x0  }
0x44: {  	s12 =	smov.u32 @p0 s29;
	s2 =	simm.s32 @!p3 $0x1;
	s1 =	simm.s32 @p1 $0x1  }
0x45: {  	_ =	strace @!p3 $0x90000050;
	s1 =	simm.s32 @p0 $0x0;
	p0 =	sne.s32 s10, s25  }
.Ltmp0:
0x46: {  	s11 =	sadd.s32 @!p3 $0x7, s11;
	_ =	strace @!p3 $0x80000051;
	(pc) =	sbr.rel @p0 .LBB2_2-.Ltmp0, $4  }
0x47: {  	s30 =	smov.u32 s28;
	s2 =	simm.s32 @p3 $0x0;
	_ =	swait.ge @!p3 [sflag:s11], $0x4000  }
0x48: {  	s23 =	sadd.s32 s23, s1;
	s1 =	sadd.s32 @!p3 $0x1, s26;
	[sflag:s11] =	ssyncset.done @!p3 $0x0  }
0x49: {  	s29 =	smov.u32 s12;
	s1 =	smov.u32 @p3 s26;
	[sflag:s11] =	ssyncadd.s32 @!p3 $0xFFFFC000  }
0x4a: {  	s19 =	sadd.s32 s19, s2;
	s26 =	smov.u32 s1;
	_ =	strace @!p3 $0x90000051  }
0x4b: {  	s1 =	sand.u32 $0x1, s1  }
0x4c: {  	_ =	strace $0x80000052;
	s1 =	sadd.s32 $0x5, s1  }
0x4d: {  	_ =	swait.ge [sflag:s1], $0x2000  }
0x4e: {  	[sflag:s1] =	ssyncset.done $0x0  }
0x4f: {  	s18 =	sadd.s32 $0x1, s18;
	[sflag:s1] =	ssyncadd.s32 $0xFFFFE000  }
0x50: {  	s31 =	sand.u32 $0x1, s19;
	p0 =	sne.s32 s18, s14;
	_ =	strace $0x90000052  }
.Ltmp1:
0x51: {  	s1 =	sadd.s32 $0x7, s31;
	_ =	strace $0x80000053;
	(pc) =	sbr.rel @p0 .LBB2_1-.Ltmp1, $4  }
0x52: {  	_ =	swait.ge [sflag:s1], $0x4000  }
0x53: {  	[sflag:s1] =	ssyncset.done $0x0  }
0x54: {  	[sflag:s1] =	ssyncadd.s32 $0xFFFFC000  }
0x55: {  	_ =	strace $0x90000053  }
0x56: {  	_ =	sfence.sel $0x180000  }
0x57: {  	[bflag:$0x0] =	sbarrier.arrive $0xFFFF  }
0x58: {  	_ =	strace $0x90000047  }
0x59: {  	s0 =	stileid.u32;
	[bflag:$0x2] =	sbarrier.arrive $0xFFFF  }
0x5a: {  	p0 =	sne.s32 s0, $0x0;
	s0 =	rddreg [dreg:$0x4]  }
0x5b: {  	s0 =	sadd.s32 @!p0 $0x100000, s0  }
0x5c: {  	[sflag:s0] =	ssyncadd.tile.s32 @!p0 $0x1;
	_ =	shalt  }
.Lfunc_end2:
_tile_overlayer_lowered:
.L_overlay_start_2:
0x5d: {  	(tag) =	ssettag $0x2  }
0x5e: {  	s0 =	rddreg [dreg:$0x0];
	s2 =	stileid.u32  }
0x5f: {  	s1 =	rddreg [dreg:$0x1];
	p0 =	sne.s32 s2, $0x0  }
0x60: {  	s3 =	rddreg [dreg:$0x2];
	[bflag:$0x3] =	sbarrier.arrive $0xFFFF;
	s2 =	simm.s32 @!p0 $0x1C01  }
0x61: {  	[timem:s3], [sflag:s2] =	dma.local @!p0 [hbm:s0], s1  }
0x62: {  	s0 =	simm.s32 @!p0 $0x1  }
0x63: {  	_ =	swait.ge @!p0 [sflag:s0], s1  }
0x64: {  	s1 =	ssub.s32 @!p0 $0x0, s1;
	[sflag:s0] =	ssyncset.done @!p0 $0x0  }
0x65: {  	[sflag:s0] =	ssyncadd.s32 @!p0 s1  }
0x66: {  	[bflag:$0x3] =	sbarrier.arrive $0xFFFF  }
0x67: {  	_ =	shalt  }

// kernel: sparse-core-data-format-call.cloned.1.call-start
scs
called_computation_lowered:
.L_overlay_start_0:
0x0: {  	s2 =	sld [smem:$0x3FD9]  }
0x1: {  	s3 =	sld [smem:$0x3FFE];
	_ =	sdelay $0x1  }
0x2: {  	s1 =	srdreg.scid  }
0x3: {  	s0 =	sand.u32 $0x1, s1  }
0x4: {  	s15 =	sshll.u32 s0, $0xA;
	s2 =	sadd.s32 s3, s2  }
0x5: {  	s2 =	sadd.s32 s2, s15  }
0x6: {  	[smem:$0x3FC4] =	sst s2  }
0x7: {  	_ = 	snop  }
0x8: {  	s2 =	sld [smem:$0x3FD0];
	_ =	sdelay $0x2  }
0x9: {  	s16 =	simm.s32 $0xA;
	s4 =	simm.s32 $0x10  }
0xa: {  	[smem:s4], [sflag:s16] =	dma.local [hbm:s2], $0x1  }
0xb: {  	_ =	swait.eq [sflag:s16], $0x1  }
0xc: {  	[sflag:s16] =	ssyncset.done $0x0  }
0xd: {  	[sflag:s16] =	ssyncadd.s32 $0xFFFFFFFF  }
0xe: {  	s17 =	sld [smem:$0x10];
	(tm) =	ssettm $0x1  }
0xf: {  	s18 =	sld [smem:$0x3FFB];
	_ =	sdelay $0x3  }
0x10: {  	_ =	strace s18  }
0x11: {  	s3 =	sld [smem:$0x3FFC];
	_ =	sdelay $0x3  }
0x12: {  	_ =	strace s3  }
0x13: {  	s3 =	sld [smem:$0x3FFD];
	_ =	sdelay $0x3  }
0x14: {  	_ =	strace s3  }
0x15: {  	_ =	strace $0x8FFFFFFF  }
0x16: {  	s19 =	sld [smem:$0x3FDB];
	_ =	sdelay $0x1  }
0x17: {  	s20 =	simm.s32 $_scs_section_size  }
0x18: {  	s5 =	simm.s32 $_size__tile_overlayer_lowered;
	s6 =	simm.s32 $_tile_overlayer_lowered  }
0x19: {  	s23 =	simm.s32 $0x1BFF;
	s22 =	sshll.u32 s6, $0x1;
	s3 =	sadd.s32 s20, s19  }
0x1a: {  	s7 =	simm.s32 $0x0;
	s21 =	sshll.u32 s5, $0x1;
	s5 =	sadd.s32 s22, s3  }
0x1b: {  	[timem:s7], [sflag:s23] =	dma.local [hbm:s5], s21  }
0x1c: {  	_ =	swait.ge [sflag:s23], s21  }
0x1d: {  	s4 =	ssub.s32 $0x0, s21;
	[sflag:s23] =	ssyncset.done $0x0  }
0x1e: {  	[sflag:s23] =	ssyncadd.s32 s4;
	_ =	sdelay $0x1  }
0x1f: {  	s24 =	simm.s32 $0x1B8B  }
0x20: {  	_ =	swait.ge [sflag:s24], $0x1  }
0x21: {  	[sflag:s24] =	ssyncset.done $0x0  }
0x22: {  	s26 =	simm.s32 $0x1B8E;
	s25 =	sld [smem:$0x3FFE];
	[sflag:s24] =	ssyncadd.s32 $0xFFFFFFFF  }
0x23: {  	s27 =	simm.s32 $execute0_lowered;
	[smem:$0x3FD2] =	sst s26  }
0x24: {  	s5 =	sshll.u32 s27, $0x1;
	_ =	strace $0x80000055;
	[dreg:$0x1] =	wrdreg $0xFFFFFFFF  }
0x25: {  	s28 =	simm.s32 $_size_execute0_lowered;
	s3 =	sadd.s32 s3, s5;
	[dreg:$0x0] =	wrdreg $0x0  }
0x26: {  	s5 =	sshll.u32 s28, $0x1;
	[dreg:$0x2] =	wrdreg s3  }
0x27: {  	[dreg:$0x3] =	wrdreg s5  }
0x28: {  	[dreg:$0x4] =	wrdreg $0xC0  }
0x29: {  	_ =	task [dreg:s7], $0x5FFFF  }
0x2a: {  	[dreg:$0x1] =	wrdreg $0xFFFFFFFF  }
0x2b: {  	[dreg:$0x0] =	wrdreg $0x60  }
0x2c: {  	[dreg:$0x2] =	wrdreg s25  }
0x2d: {  	[dreg:$0x3] =	wrdreg s17  }
0x2e: {  	[dreg:$0x4] =	wrdreg $0x9  }
0x2f: {  	_ =	task.clear_ibuf [dreg:s7], $0x5FFFF;
	_ =	strace $0x90000055  }
0x30: {  	s29 =	simm.s32 $0x9;
	_ =	strace $0x80000057  }
0x31: {  	_ =	swait.ge [sflag:s29], $0x1  }
0x32: {  	[sflag:s29] =	ssyncadd.s32 $0xFFFFFFFF  }
0x33: {  	_ =	strace $0x90000057  }
0x34: {  	_ =	sfence  }
0x35: {  	s30 =	sld [smem:$0x0];
	_ =	sdelay $0x2  }
0x36: {  	s31 =	sshll.u32 s1, $0xD;
	s1 =	sshrl.u32 s1, $0x2  }
0x37: {  	s3 =	sand.u32 $0x4000, s31;
	s1 =	sadd.s32 s1, s30  }
0x38: {  	s0 =	sor.u32 s3, s0;
	s1 =	sshll.u32 s1, $0x11  }
0x39: {  	s0 =	sor.u32 s1, s0  }
0x3a: {  	s0 =	sadd.s32 $0x8F2B, s0  }
0x3b: {  	[sflag:s0] =	ssyncadd.remote.s32 $0x1  }
0x3c: {  	_ =	sfence.sel $0xFFFF  }
0x3d: {  	[dreg:$0x0] =	wrdreg $0xFFFFFFFF;
	(pc) =	sbr.abs _section_cstart, $3  }
0x3e: {  	[dreg:$0x1] =	wrdreg $0xFFFFFFFF  }
0x3f: {  	_ =	task.clear_ibuf [dreg:s7], $0x2FFFF;
	_ =	strace $0x9FFFFFFF  }
0x40: {  	(tm) =	ssettm $0x7FFFFFFF  }
0x41: {  	_ =	shalt  }
tec
execute0_lowered:
.L_overlay_start_1:
0x0: {  	(tag) =	ssettag $0x1  }
0x1: {  	s0 =	srdreg.scid  }
0x2: {  	s1 =	sshll.u32 s0, $0x4  }
0x3: {  	s4 =	rddreg [dreg:$0x0];
	s0 =	stileid.u32;
	s1 =	sand.u32 $0x10, s1  }
0x4: {  	s2 =	rddreg [dreg:$0x1];
	s7 =	simm.s32 $0x1;
	s1 =	sor.u32 s0, s1  }
0x5: {  	s8 =	simm.s32 $0x2;
	s11 =	simm.s32 $0x0;
	s3 =	sshll.u32 s1, $0x7  }
0x6: {  	s10 =	simm.s32 $0x0;
	s4 =	sadd.s32 $0x200, s4;
	s6 =	ssub.s32 $0xC3500, s3  }
.Ltmp0:
0x7: {  	s1 =	rddreg [dreg:$0x2];
	s5 =	sand.u32 $0xF80, s6;
	(pc) =	sbr.rel .LBB1_1-.Ltmp0, $4  }
0x8: {  	_ =	strace $0x80000056;
	s9 =	smov.u32 s3;
	p0 =	sne.s32 s5, $0x0  }
0x9: {  	s6 =	sshrl.u32 s6, $0xC;
	s5 =	simm.s32 $0x1;
	s7 =	simm.s32 @!p0 $0x0  }
0xa: {  	[sflag:s5] =	ssyncpa.u1 $0x0;
	p0 =	por $0x0, $0x0;
	s6 =	sadd.s32 s7, s6  }
0xb: {  	[sflag:s8] =	ssyncpa.u1 $0x0;
	s8 =	simm.s32 $0x61A800;
	s7 =	sadd.s32 $0x1, s6  }
.LBB1_4:
0xc: {  	s14 =	sshll.u32 s11, $0x3  }
0xd: {  	s14 =	sand.u32 $0xFFFFFC00, s14  }
0xe: {  	s15 =	sshrl.u32 s14, $0x8  }
0xf: {  	s15 =	smulhi.u32 $0x14F8B59, s15;
	_ =	sdelay $0x1  }
0x10: {  	s15 =	sshrl.u32 s15, $0x4  }
0x11: {  	s28 =	sand.u32 $0x7F, s11;
	s16 =	smul.u32 $0xC3500, s15  }
0x12: {  	s11 =	sor.u32 s28, s14  }
0x13: {  	s29 =	sand.u32 $0x3F, s15;
	s11 =	ssub.s32 s11, s16  }
0x14: {  	[tilespmem:s13+$0x810 ss:$0x81] =	vst.msk $0xffff, v2;
	s14 =	smul.u32 $0x186A0, s29;
	s30 =	sshrl.u32 s11, $0x3;
	s11 =	sand.u32 $0x7, s11  }
0x15: {  	[tilespmem:s13+$0x1020 ss:$0x81] =	vst.msk $0xffff, v0;
	s15 =	sadd.s32 s2, s30;
	s11 =	sshll.u32 s11, $0x12  }
0x16: {  	[tilespmem:s13+$0x0 ss:$0x81] =	vst.msk $0xffff, v1;
	s31 =	sadd.s32 s14, s15;
	s11 =	sor.u32 $0x400, s11  }
0x17: {  	[hbm4b:s31+s11] =	stream.strided.scatter [tilespmem:s12], [sflag:$0x2], $0x2000, s8, s11, $0x20;
	[tilespmem:$0x8080] =	vst v63  }
.LBB1_5:
0x18: {  	s13 =	sadd.s32 $0x1000, s9  }
0x19: {  	p2 =	sgt.s32 s13, $0xC34FF  }
0x1a: {  	s13 =	smov.u32 @p2 s3;
	p2 =	sne.s32 s10, s7  }
.Ltmp1:
0x1b: {  	p1 =	slt.u32 s10, $0x2;
	(pc) =	sbr.rel @!p2 .LBB1_6-.Ltmp1, $4  }
0x1c: {  	s12 =	simm.s32 @!p1 $0x2  }
0x1d: {  	s14 =	sadd.s32 $0x1, s10;
	_ =	swait.ge @!p1 [sflag:s12], $0x2000  }
0x1e: {  	s11 =	smov.u32 s9;
	p0 =	por !p0, !p0;
	[sflag:s12] =	ssyncset.done @!p1 $0x0  }
0x1f: {  	s10 =	smov.u32 s14;
	s9 =	smov.u32 s13;
	[sflag:s12] =	ssyncadd.s32 @!p1 $0xFFFFE000  }
.LBB1_1:
0x20: {  	p1 =	sge.u32 s10, s6  }
0x21: {  	s12 =	sand.u32 @!p1 $0x1FFFFFF, s9  }
0x22: {  	s13 =	smulhi.u32 @!p1 $0x14F8B59, s12;
	_ =	sdelay $0x1  }
0x23: {  	s13 =	sshrl.u32 @!p1 s13, $0xC  }
0x24: {  	s13 =	smul.u32 @!p1 $0xC3500, s13;
	_ =	sdelay $0x1  }
0x25: {  	s31 =	sadd.s32 $0xFFFFFFFF, s10;
	s14 =	sxor.u32 @!p1 $0xFFFFFFFF, s10;
	s12 =	ssub.s32 @!p1 s12, s13  }
0x26: {  	s15 =	simm.s32 @!p1 $0x80;
	s14 =	sshll.u32 @!p1 s14, $0xD;
	s12 =	sshll.u32 @!p1 s12, $0x4  }
0x27: {  	s13 =	sand.u32 @!p1 $0x2000, s14;
	s14 =	simm.s32 @!p1 $0x40;
	s12 =	sadd.s32 @!p1 s4, s12  }
0x28: {  	[tilespmem:s13], [sflag:$0x1] =	stream.strided.gather @!p1 [hbm4b:s12+s14], $0x2000, s15, s14, $0x38;
	[tilespmem:$0x8080] =	vst v63  }
0x29: {  	p1 =	sge.u32 s31, s6  }
.Ltmp2:
0x2a: {  	_ = 	snop;
	(pc) =	sbr.rel @p1 .LBB1_5-.Ltmp2, $1  }
0x2b: {  	_ =	sdelay $0x3  }
0x2c: {  	s12 =	simm.s32 $0x1  }
0x2d: {  	_ =	swait.ge [sflag:s5], $0x2000;
	s12 =	simm.s32 @!p0 $0x0  }
0x2e: {  	[sflag:s5] =	ssyncset.done $0x0;
	s13 =	sshll.u32 s12, $0xD  }
0x2f: {  	[sflag:s5] =	ssyncadd.s32 $0xFFFFE000;
	s16 =	sor.u32 $0x20, s13  }
0x30: {  	s12 =	smul.u32 $0x8100, s12;
	v3 =	vld [tilespmem:s16+$0x10]  }
0x31: {  	s30 =	sand.u32 $0x1, s10;
	v2 =	vld [tilespmem:s16+$0xFFFFFFF0]  }
0x32: {  	s13 =	smul.u32 $0x8100, s30;
	s12 =	sshrl.u32 s12, $0x2;
	v0 =	vld [tilespmem:s16+$0x0]  }
0x33: {  	v1 =	vld [tilespmem:s16+$0xFFFFFFE0];
	s14 =	sor.u32 $0x4000, s12  }
0x34: {  	s31 =	sshrl.u32 s13, $0x2;
	s13 =	sadd.s32 $0x0, s14  }
0x35: {  	s15 =	simm.s32 $0x4;
	s16 =	sadd.s32 $0x40, s16;
	s12 =	sor.u32 $0x4000, s31;
	[tilespmem:s13+$0x1830 ss:$0x81] =	vst.msk $0xffff, v3  }
.LBB1_3:
0x36: {  	v3 =	vld [tilespmem:s16+$0x10];
	p1 =	sne.s32 s15, $0x1FC;
	[tilespmem:s13+$0x810 ss:$0x81] =	vst.msk $0xffff, v2;
	s17 =	smov.u32 s15;
	s15 =	sadd.s32 $0x4, s15  }
.Ltmp3:
0x37: {  	v2 =	vld [tilespmem:s16+$0xFFFFFFF0];
	[tilespmem:s13+$0x1020 ss:$0x81] =	vst.msk $0xffff, v0;
	(pc) =	sbr.rel @p1 .LBB1_3-.Ltmp3, $4  }
0x38: {  	v0 =	vld [tilespmem:s16+$0x0];
	[tilespmem:s13+$0x0 ss:$0x81] =	vst.msk $0xffff, v1  }
0x39: {  	s13 =	sshra.s32 s17, $0x2;
	v1 =	vld [tilespmem:s16+$0xFFFFFFE0]  }
0x3a: {  	s13 =	sadd.s32 s13, s14  }
0x3b: {  	s16 =	sadd.s32 $0x40, s16;
	[tilespmem:s13+$0x1830 ss:$0x81] =	vst.msk $0xffff, v3  }
.Ltmp4:
0x3c: {  	_ = 	snop;
	(pc) =	sbr.rel .LBB1_4-.Ltmp4, $1  }
0x3d: {  	_ =	sdelay $0x3  }
.LBB1_6:
0x3e: {  	_ =	sfence.sel $0x180000  }
0x3f: {  	s2 =	simm.s32 $0x1;
	[bflag:$0x0] =	sbarrier.arrive $0xFFFF  }
0x40: {  	s31 =	simm.s32 $0x2;
	[sflag:s2] =	ssyncpa.u1 $0x1  }
0x41: {  	[sflag:s31] =	ssyncpa.u1 $0x1  }
0x42: {  	p0 =	sne.s32 s0, $0x0;
	_ =	strace $0x90000056  }
0x43: {  	s0 =	sadd.s32 @!p0 $0x100000, s1;
	[bflag:$0x2] =	sbarrier.arrive $0xFFFF  }
0x44: {  	[sflag:s0] =	ssyncadd.tile.s32 @!p0 $0x1;
	_ =	shalt  }
.Lfunc_end1:
_tile_overlayer_lowered:
.L_overlay_start_2:
0x45: {  	(tag) =	ssettag $0x2  }
0x46: {  	s0 =	rddreg [dreg:$0x0];
	s2 =	stileid.u32  }
0x47: {  	s1 =	rddreg [dreg:$0x1];
	p0 =	sne.s32 s2, $0x0  }
0x48: {  	s3 =	rddreg [dreg:$0x2];
	[bflag:$0x3] =	sbarrier.arrive $0xFFFF;
	s2 =	simm.s32 @!p0 $0x1C01  }
0x49: {  	[timem:s3], [sflag:s2] =	dma.local @!p0 [hbm:s0], s1  }
0x4a: {  	s0 =	simm.s32 @!p0 $0x1  }
0x4b: {  	_ =	swait.ge @!p0 [sflag:s0], s1  }
0x4c: {  	s1 =	ssub.s32 @!p0 $0x0, s1;
	[sflag:s0] =	ssyncset.done @!p0 $0x0  }
0x4d: {  	[sflag:s0] =	ssyncadd.s32 @!p0 s1  }
0x4e: {  	[bflag:$0x3] =	sbarrier.arrive $0xFFFF  }
0x4f: {  	_ =	shalt  }

</sc_bundles>
